<compile_context>
chip_gen: v7x
topology: tpu7x:2x2x1
jax: 0.10.2.dev20260603
libtpu: 0.0.44.dev20260713+nightly
codegen_flags: <defaults>
</compile_context>

<pallas_src>
import jax
import jax.numpy as jnp
from jax import lax
from jax.experimental import pallas as pl
from jax.experimental.pallas import tpu as pltpu
from jax.experimental.pallas import tpu_sc as plsc


def _combine_sc_body(idx_hbm, w_hbm, out_hbm, idx_v, w_v, fi_v, z_v, comb_sh):
    cid = lax.axis_index("c")
    sid = lax.axis_index("s")
    tk = idx_v.shape[0]
    et = z_v.shape[0]
    t_sz = 64

    @pl.when((cid == 0) & (sid == 0))
    def _():
        pltpu.sync_copy(idx_hbm, idx_v)
        pltpu.sync_copy(w_hbm, w_v)
        zeros = jnp.zeros((16,), jnp.float32)
        for j in range(et // 16):
            z_v[pl.ds(j * 16, 16)] = zeros
        lanes = lax.iota(jnp.int32, 16)
        for j in range(tk // 16):
            t = lanes + (j % (t_sz // 16)) * 16
            fi_v[pl.ds(j * 16, 16)] = idx_v[pl.ds(j * 16, 16)] * t_sz + t
        pltpu.sync_copy(z_v, comb_sh)
        pltpu.sync_copy(w_v, comb_sh.at[fi_v], add=True)
        pltpu.sync_copy(comb_sh, out_hbm)


def _routing_combine(top_k_index, top_k_weights, E, T):
    K = top_k_index.shape[1]
    idx_flat = top_k_index.T.reshape(T * K)
    w_flat = top_k_weights.T.reshape(T * K)
    kern = pl.kernel(
        _combine_sc_body,
        mesh=plsc.VectorSubcoreMesh(core_axis_name="c", subcore_axis_name="s"),
        out_type=jax.ShapeDtypeStruct((E * T,), jnp.float32),
        scratch_types=[
            pltpu.VMEM((T * K,), jnp.int32),
            pltpu.VMEM((T * K,), jnp.float32),
            pltpu.VMEM((T * K,), jnp.int32),
            pltpu.VMEM((E * T,), jnp.float32),
            pltpu.VMEM_SHARED((E * T,), jnp.float32),
        ],
    )
    return kern(idx_flat, w_flat).reshape(E, 1, T)


def _moe_body(x_ref, comb_ref, wg_ref, wu_ref, dn_ref, out_ref):
    e = pl.program_id(0)
    x = x_ref[...]
    gate = jax.lax.dot_general(
        x, wg_ref[0], (((1,), (1,)), ((), ())),
        preferred_element_type=jnp.float32)
    up = jax.lax.dot_general(
        x, wu_ref[0], (((1,), (1,)), ((), ())),
        preferred_element_type=jnp.float32)
    h = gate * jax.nn.sigmoid(gate) * up
    oe = jax.lax.dot_general(
        h, dn_ref[0], (((1,), (1,)), ((), ())),
        preferred_element_type=jnp.float32)
    cw = comb_ref[0, 0, :][:, None]
    contrib = oe * cw

    @pl.when(e == 0)
    def _init():
        out_ref[...] = contrib

    @pl.when(e != 0)
    def _acc():
        out_ref[...] += contrib


def kernel(hidden_states, top_k_index, top_k_weights, gate_up_proj, down_proj):
    T, H = hidden_states.shape
    E, I2, _ = gate_up_proj.shape
    I = down_proj.shape[-1]

    combine = _routing_combine(top_k_index, top_k_weights, E, T)

    return pl.pallas_call(
        _moe_body,
        grid=(E,),
        in_specs=[
            pl.BlockSpec((T, H), lambda e: (0, 0)),
            pl.BlockSpec((1, 1, T), lambda e: (e, 0, 0)),
            pl.BlockSpec((1, I, H), lambda e: (e, 0, 0)),
            pl.BlockSpec((1, I, H), lambda e: (e, 1, 0)),
            pl.BlockSpec((1, H, I), lambda e: (e, 0, 0)),
        ],
        out_specs=pl.BlockSpec((T, H), lambda e: (0, 0)),
        out_shape=jax.ShapeDtypeStruct((T, H), jnp.float32),
    )(hidden_states, combine, gate_up_proj, gate_up_proj, down_proj)

# --- scband reference (transcript-rebuilt; emitter-appended) ---
"""Pipeline reference for scband-glm4-moe-naive-moe-hybrid-1657857376742 (READ-ONLY COPY).

The authoritative reference and input builder live on the scoring server;
editing this copy changes nothing except your own understanding.
"""

import jax, jax.numpy as jnp
import numpy as np

NUM_EXPERTS = 64
HIDDEN = 1024
INTER = 512
TOKENS = 64
TOP_K = 8


def setup_inputs(seed: int = 0) -> dict:
    key = jax.random.key(seed)
    k1, k2, k3, k4, k5 = jax.random.split(key, 5)
    hidden_states = jax.random.normal(k1, (TOKENS, HIDDEN), dtype=jnp.float32)
    top_k_index = jax.random.randint(k2, (TOKENS, TOP_K), 0, NUM_EXPERTS, dtype=jnp.int64 if jax.config.jax_enable_x64 else jnp.int32).astype(jnp.int32)
    top_k_weights = jax.random.uniform(k3, (TOKENS, TOP_K), dtype=jnp.float32)
    gate_up_proj = jax.random.normal(k4, (NUM_EXPERTS, 2 * INTER, HIDDEN), dtype=jnp.float32) * 0.02
    down_proj = jax.random.normal(k5, (NUM_EXPERTS, HIDDEN, INTER), dtype=jnp.float32) * 0.02
    return {
        "hidden_states": hidden_states,
        "top_k_index": top_k_index,
        "top_k_weights": top_k_weights,
        "gate_up_proj": gate_up_proj,
        "down_proj": down_proj,
    }


def reference(hidden_states, top_k_index, top_k_weights, gate_up_proj, down_proj):
    # Faithful math of Glm4MoeNaiveMoeHybrid.forward:
    # for each expert e: y_e = silu(x @ Wg_e^T) * (x @ Wu_e^T) @ Wd_e^T
    # final[t] = sum_k top_k_weights[t,k] * y_{top_k_index[t,k]}[t]
    # Implemented densely over experts (unrouted contributions masked to zero),
    # which is mathematically identical to the per-expert gather/index_add loop.
    E = gate_up_proj.shape[0]
    f = down_proj.shape[-1]
    gu = jnp.einsum("td,efd->etf", hidden_states, gate_up_proj)  # [E, T, 2f]
    gate = gu[..., :f]
    up = gu[..., f:]
    h = jax.nn.silu(gate) * up  # [E, T, f]
    expert_out = jnp.einsum("etf,edf->etd", h, down_proj)  # [E, T, d]
    one_hot = jax.nn.one_hot(top_k_index, E, dtype=hidden_states.dtype)  # [T, K, E]
    combine = jnp.einsum("tke,tk->et", one_hot, top_k_weights)  # [E, T]
    final_hidden_states = jnp.einsum("etd,et->td", expert_out, combine)  # [T, d]
    return final_hidden_states

if __name__ == "__main__":
    import jax
    _d = setup_inputs()
    print(jax.jit(kernel)(*tuple(_d.values())))

</pallas_src>

<mosaic_0001>
#map = affine_map<(d0, d1) -> (0)>
module attributes {stable_mosaic.version = 14 : i64} {
  func.func @_combine_sc_body(%arg0: i32, %arg1: i32, %arg2: memref<512xi32, #tpu.memory_space<hbm>>, %arg3: memref<512xf32, #tpu.memory_space<hbm>>, %arg4: memref<4096xf32, #tpu.memory_space<hbm>>, %arg5: memref<512xi32, #tpu.memory_space<vmem>>, %arg6: memref<512xf32, #tpu.memory_space<vmem>>, %arg7: memref<512xi32, #tpu.memory_space<vmem>>, %arg8: memref<4096xf32, #tpu.memory_space<vmem>>, %arg9: memref<4096xf32, #tpu.memory_space<vmem_shared>>) attributes {dimension_semantics = [#tpu.dimension_semantics<core_parallel>, #tpu.dimension_semantics<subcore_parallel>], iteration_bounds = array<i64: 2, 16>, scalar_prefetch = 0 : i64, scratch_operands = 5 : i64, tpu.core_type = #tpu.core_type<sc_vector_subcore>, window_params = [{transform_indices = #map}, {transform_indices = #map}, {transform_indices = #map}]} {
    %eq3A = arith.constant 0 : i32
    %eq3A_0 = arith.cmpi eq, %arg0, %eq3A : i32
    %eq3A_1 = arith.constant 0 : i32
    %eq3A_2 = arith.cmpi eq, %arg1, %eq3A_1 : i32
    %and3A = arith.andi %eq3A_0, %eq3A_2 : i1
    %convert_element_type3A = arith.extui %and3A : i1 to i32
    %cond3A = arith.constant 0 : i32
    %cond3A_3 = arith.cmpi ne, %convert_element_type3A, %cond3A : i32
    scf.if %cond3A_3 {
      "tpu.region"() ({
        %run_scoped3A = tpu.sem_alloc : memref<!tpu.dma_semaphore, #tpu.memory_space<semaphore_mem>>
        tpu.enqueue_dma source(%arg2 : memref<512xi32, #tpu.memory_space<hbm>>) target(%arg5 : memref<512xi32, #tpu.memory_space<vmem>>) target_semaphore(%run_scoped3A : memref<!tpu.dma_semaphore, #tpu.memory_space<semaphore_mem>>)
        tpu.wait_dma2 semaphore(%run_scoped3A : memref<!tpu.dma_semaphore, #tpu.memory_space<semaphore_mem>>) src(%arg2 : memref<512xi32, #tpu.memory_space<hbm>>) dst(%arg5 : memref<512xi32, #tpu.memory_space<vmem>>)
        tpu.yield
      }) : () -> ()
      "tpu.region"() ({
        %run_scoped3A = tpu.sem_alloc : memref<!tpu.dma_semaphore, #tpu.memory_space<semaphore_mem>>
        tpu.enqueue_dma source(%arg3 : memref<512xf32, #tpu.memory_space<hbm>>) target(%arg6 : memref<512xf32, #tpu.memory_space<vmem>>) target_semaphore(%run_scoped3A : memref<!tpu.dma_semaphore, #tpu.memory_space<semaphore_mem>>)
        tpu.wait_dma2 semaphore(%run_scoped3A : memref<!tpu.dma_semaphore, #tpu.memory_space<semaphore_mem>>) src(%arg3 : memref<512xf32, #tpu.memory_space<hbm>>) dst(%arg6 : memref<512xf32, #tpu.memory_space<vmem>>)
        tpu.yield
      }) : () -> ()
      %broadcast_in_dim3A = arith.constant 0.000000e+00 : f32
      %broadcast_in_dim3A_4 = vector.broadcast %broadcast_in_dim3A : f32 to vector<16xf32>
      %swap3A = arith.constant 0 : index
      %swap3A_5 = tpu.vector_load %arg8[%swap3A] {strides = array<i32>} : memref<4096xf32, #tpu.memory_space<vmem>>, vector<16xf32>,
      %swap3A_6 = vector.shape_cast %swap3A_5 : vector<16xf32> to vector<16xf32>
      %swap3A_7 = vector.shape_cast %broadcast_in_dim3A_4 : vector<16xf32> to vector<16xf32>
      tpu.vector_store %arg8[%swap3A], %swap3A_7 {strides = array<i32>} : memref<4096xf32, #tpu.memory_space<vmem>>, vector<16xf32>,
      %swap3A_8 = arith.constant 16 : index
      %swap3A_9 = tpu.vector_load %arg8[%swap3A_8] {strides = array<i32>} : memref<4096xf32, #tpu.memory_space<vmem>>, vector<16xf32>,
      %swap3A_10 = vector.shape_cast %swap3A_9 : vector<16xf32> to vector<16xf32>
      %swap3A_11 = vector.shape_cast %broadcast_in_dim3A_4 : vector<16xf32> to vector<16xf32>
      tpu.vector_store %arg8[%swap3A_8], %swap3A_11 {strides = array<i32>} : memref<4096xf32, #tpu.memory_space<vmem>>, vector<16xf32>,
      %swap3A_12 = arith.constant 32 : index
      %swap3A_13 = tpu.vector_load %arg8[%swap3A_12] {strides = array<i32>} : memref<4096xf32, #tpu.memory_space<vmem>>, vector<16xf32>,
      %swap3A_14 = vector.shape_cast %swap3A_13 : vector<16xf32> to vector<16xf32>
      %swap3A_15 = vector.shape_cast %broadcast_in_dim3A_4 : vector<16xf32> to vector<16xf32>
      tpu.vector_store %arg8[%swap3A_12], %swap3A_15 {strides = array<i32>} : memref<4096xf32, #tpu.memory_space<vmem>>, vector<16xf32>,
      %swap3A_16 = arith.constant 48 : index
      %swap3A_17 = tpu.vector_load %arg8[%swap3A_16] {strides = array<i32>} : memref<4096xf32, #tpu.memory_space<vmem>>, vector<16xf32>,
      %swap3A_18 = vector.shape_cast %swap3A_17 : vector<16xf32> to vector<16xf32>
      %swap3A_19 = vector.shape_cast %broadcast_in_dim3A_4 : vector<16xf32> to vector<16xf32>
      tpu.vector_store %arg8[%swap3A_16], %swap3A_19 {strides = array<i32>} : memref<4096xf32, #tpu.memory_space<vmem>>, vector<16xf32>,
      %swap3A_20 = arith.constant 64 : index
      %swap3A_21 = tpu.vector_load %arg8[%swap3A_20] {strides = array<i32>} : memref<4096xf32, #tpu.memory_space<vmem>>, vector<16xf32>,
      %swap3A_22 = vector.shape_cast %swap3A_21 : vector<16xf32> to vector<16xf32>
      %swap3A_23 = vector.shape_cast %broadcast_in_dim3A_4 : vector<16xf32> to vector<16xf32>
      tpu.vector_store %arg8[%swap3A_20], %swap3A_23 {strides = array<i32>} : memref<4096xf32, #tpu.memory_space<vmem>>, vector<16xf32>,
      %swap3A_24 = arith.constant 80 : index
      %swap3A_25 = tpu.vector_load %arg8[%swap3A_24] {strides = array<i32>} : memref<4096xf32, #tpu.memory_space<vmem>>, vector<16xf32>,
      %swap3A_26 = vector.shape_cast %swap3A_25 : vector<16xf32> to vector<16xf32>
      %swap3A_27 = vector.shape_cast %broadcast_in_dim3A_4 : vector<16xf32> to vector<16xf32>
      tpu.vector_store %arg8[%swap3A_24], %swap3A_27 {strides = array<i32>} : memref<4096xf32, #tpu.memory_space<vmem>>, vector<16xf32>,
      %swap3A_28 = arith.constant 96 : index
      %swap3A_29 = tpu.vector_load %arg8[%swap3A_28] {strides = array<i32>} : memref<4096xf32, #tpu.memory_space<vmem>>, vector<16xf32>,
      %swap3A_30 = vector.shape_cast %swap3A_29 : vector<16xf32> to vector<16xf32>
      %swap3A_31 = vector.shape_cast %broadcast_in_dim3A_4 : vector<16xf32> to vector<16xf32>
      tpu.vector_store %arg8[%swap3A_28], %swap3A_31 {strides = array<i32>} : memref<4096xf32, #tpu.memory_space<vmem>>, vector<16xf32>,
      %swap3A_32 = arith.constant 112 : index
      %swap3A_33 = tpu.vector_load %arg8[%swap3A_32] {strides = array<i32>} : memref<4096xf32, #tpu.memory_space<vmem>>, vector<16xf32>,
      %swap3A_34 = vector.shape_cast %swap3A_33 : vector<16xf32> to vector<16xf32>
      %swap3A_35 = vector.shape_cast %broadcast_in_dim3A_4 : vector<16xf32> to vector<16xf32>
      tpu.vector_store %arg8[%swap3A_32], %swap3A_35 {strides = array<i32>} : memref<4096xf32, #tpu.memory_space<vmem>>, vector<16xf32>,
      %swap3A_36 = arith.constant 128 : index
      %swap3A_37 = tpu.vector_load %arg8[%swap3A_36] {strides = array<i32>} : memref<4096xf32, #tpu.memory_space<vmem>>, vector<16xf32>,
      %swap3A_38 = vector.shape_cast %swap3A_37 : vector<16xf32> to vector<16xf32>
      %swap3A_39 = vector.shape_cast %broadcast_in_dim3A_4 : vector<16xf32> to vector<16xf32>
      tpu.vector_store %arg8[%swap3A_36], %swap3A_39 {strides = array<i32>} : memref<4096xf32, #tpu.memory_space<vmem>>, vector<16xf32>,
      %swap3A_40 = arith.constant 144 : index
      %swap3A_41 = tpu.vector_load %arg8[%swap3A_40] {strides = array<i32>} : memref<4096xf32, #tpu.memory_space<vmem>>, vector<16xf32>,
      %swap3A_42 = vector.shape_cast %swap3A_41 : vector<16xf32> to vector<16xf32>
      %swap3A_43 = vector.shape_cast %broadcast_in_dim3A_4 : vector<16xf32> to vector<16xf32>
      tpu.vector_store %arg8[%swap3A_40], %swap3A_43 {strides = array<i32>} : memref<4096xf32, #tpu.memory_space<vmem>>, vector<16xf32>,
      %swap3A_44 = arith.constant 160 : index
      %swap3A_45 = tpu.vector_load %arg8[%swap3A_44] {strides = array<i32>} : memref<4096xf32, #tpu.memory_space<vmem>>, vector<16xf32>,
      %swap3A_46 = vector.shape_cast %swap3A_45 : vector<16xf32> to vector<16xf32>
      %swap3A_47 = vector.shape_cast %broadcast_in_dim3A_4 : vector<16xf32> to vector<16xf32>
      tpu.vector_store %arg8[%swap3A_44], %swap3A_47 {strides = array<i32>} : memref<4096xf32, #tpu.memory_space<vmem>>, vector<16xf32>,
      %swap3A_48 = arith.constant 176 : index
      %swap3A_49 = tpu.vector_load %arg8[%swap3A_48] {strides = array<i32>} : memref<4096xf32, #tpu.memory_space<vmem>>, vector<16xf32>,
      %swap3A_50 = vector.shape_cast %swap3A_49 : vector<16xf32> to vector<16xf32>
      %swap3A_51 = vector.shape_cast %broadcast_in_dim3A_4 : vector<16xf32> to vector<16xf32>
      tpu.vector_store %arg8[%swap3A_48], %swap3A_51 {strides = array<i32>} : memref<4096xf32, #tpu.memory_space<vmem>>, vector<16xf32>,
      %swap3A_52 = arith.constant 192 : index
      %swap3A_53 = tpu.vector_load %arg8[%swap3A_52] {strides = array<i32>} : memref<4096xf32, #tpu.memory_space<vmem>>, vector<16xf32>,
      %swap3A_54 = vector.shape_cast %swap3A_53 : vector<16xf32> to vector<16xf32>
      %swap3A_55 = vector.shape_cast %broadcast_in_dim3A_4 : vector<16xf32> to vector<16xf32>
      tpu.vector_store %arg8[%swap3A_52], %swap3A_55 {strides = array<i32>} : memref<4096xf32, #tpu.memory_space<vmem>>, vector<16xf32>,
      %swap3A_56 = arith.constant 208 : index
      %swap3A_57 = tpu.vector_load %arg8[%swap3A_56] {strides = array<i32>} : memref<4096xf32, #tpu.memory_space<vmem>>, vector<16xf32>,
      %swap3A_58 = vector.shape_cast %swap3A_57 : vector<16xf32> to vector<16xf32>
      %swap3A_59 = vector.shape_cast %broadcast_in_dim3A_4 : vector<16xf32> to vector<16xf32>
      tpu.vector_store %arg8[%swap3A_56], %swap3A_59 {strides = array<i32>} : memref<4096xf32, #tpu.memory_space<vmem>>, vector<16xf32>,
      %swap3A_60 = arith.constant 224 : index
      %swap3A_61 = tpu.vector_load %arg8[%swap3A_60] {strides = array<i32>} : memref<4096xf32, #tpu.memory_space<vmem>>, vector<16xf32>,
      %swap3A_62 = vector.shape_cast %swap3A_61 : vector<16xf32> to vector<16xf32>
      %swap3A_63 = vector.shape_cast %broadcast_in_dim3A_4 : vector<16xf32> to vector<16xf32>
      tpu.vector_store %arg8[%swap3A_60], %swap3A_63 {strides = array<i32>} : memref<4096xf32, #tpu.memory_space<vmem>>, vector<16xf32>,
      %swap3A_64 = arith.constant 240 : index
      %swap3A_65 = tpu.vector_load %arg8[%swap3A_64] {strides = array<i32>} : memref<4096xf32, #tpu.memory_space<vmem>>, vector<16xf32>,
      %swap3A_66 = vector.shape_cast %swap3A_65 : vector<16xf32> to vector<16xf32>
      %swap3A_67 = vector.shape_cast %broadcast_in_dim3A_4 : vector<16xf32> to vector<16xf32>
      tpu.vector_store %arg8[%swap3A_64], %swap3A_67 {strides = array<i32>} : memref<4096xf32, #tpu.memory_space<vmem>>, vector<16xf32>,
      %swap3A_68 = arith.constant 256 : index
      %swap3A_69 = tpu.vector_load %arg8[%swap3A_68] {strides = array<i32>} : memref<4096xf32, #tpu.memory_space<vmem>>, vector<16xf32>,
      %swap3A_70 = vector.shape_cast %swap3A_69 : vector<16xf32> to vector<16xf32>
      %swap3A_71 = vector.shape_cast %broadcast_in_dim3A_4 : vector<16xf32> to vector<16xf32>
      tpu.vector_store %arg8[%swap3A_68], %swap3A_71 {strides = array<i32>} : memref<4096xf32, #tpu.memory_space<vmem>>, vector<16xf32>,
      %swap3A_72 = arith.constant 272 : index
      %swap3A_73 = tpu.vector_load %arg8[%swap3A_72] {strides = array<i32>} : memref<4096xf32, #tpu.memory_space<vmem>>, vector<16xf32>,
      %swap3A_74 = vector.shape_cast %swap3A_73 : vector<16xf32> to vector<16xf32>
      %swap3A_75 = vector.shape_cast %broadcast_in_dim3A_4 : vector<16xf32> to vector<16xf32>
      tpu.vector_store %arg8[%swap3A_72], %swap3A_75 {strides = array<i32>} : memref<4096xf32, #tpu.memory_space<vmem>>, vector<16xf32>,
      %swap3A_76 = arith.constant 288 : index
      %swap3A_77 = tpu.vector_load %arg8[%swap3A_76] {strides = array<i32>} : memref<4096xf32, #tpu.memory_space<vmem>>, vector<16xf32>,
      %swap3A_78 = vector.shape_cast %swap3A_77 : vector<16xf32> to vector<16xf32>
      %swap3A_79 = vector.shape_cast %broadcast_in_dim3A_4 : vector<16xf32> to vector<16xf32>
      tpu.vector_store %arg8[%swap3A_76], %swap3A_79 {strides = array<i32>} : memref<4096xf32, #tpu.memory_space<vmem>>, vector<16xf32>,
      %swap3A_80 = arith.constant 304 : index
      %swap3A_81 = tpu.vector_load %arg8[%swap3A_80] {strides = array<i32>} : memref<4096xf32, #tpu.memory_space<vmem>>, vector<16xf32>,
      %swap3A_82 = vector.shape_cast %swap3A_81 : vector<16xf32> to vector<16xf32>
      %swap3A_83 = vector.shape_cast %broadcast_in_dim3A_4 : vector<16xf32> to vector<16xf32>
      tpu.vector_store %arg8[%swap3A_80], %swap3A_83 {strides = array<i32>} : memref<4096xf32, #tpu.memory_space<vmem>>, vector<16xf32>,
      %swap3A_84 = arith.constant 320 : index
      %swap3A_85 = tpu.vector_load %arg8[%swap3A_84] {strides = array<i32>} : memref<4096xf32, #tpu.memory_space<vmem>>, vector<16xf32>,
      %swap3A_86 = vector.shape_cast %swap3A_85 : vector<16xf32> to vector<16xf32>
      %swap3A_87 = vector.shape_cast %broadcast_in_dim3A_4 : vector<16xf32> to vector<16xf32>
      tpu.vector_store %arg8[%swap3A_84], %swap3A_87 {strides = array<i32>} : memref<4096xf32, #tpu.memory_space<vmem>>, vector<16xf32>,
      %swap3A_88 = arith.constant 336 : index
      %swap3A_89 = tpu.vector_load %arg8[%swap3A_88] {strides = array<i32>} : memref<4096xf32, #tpu.memory_space<vmem>>, vector<16xf32>,
      %swap3A_90 = vector.shape_cast %swap3A_89 : vector<16xf32> to vector<16xf32>
      %swap3A_91 = vector.shape_cast %broadcast_in_dim3A_4 : vector<16xf32> to vector<16xf32>
      tpu.vector_store %arg8[%swap3A_88], %swap3A_91 {strides = array<i32>} : memref<4096xf32, #tpu.memory_space<vmem>>, vector<16xf32>,
      %swap3A_92 = arith.constant 352 : index
      %swap3A_93 = tpu.vector_load %arg8[%swap3A_92] {strides = array<i32>} : memref<4096xf32, #tpu.memory_space<vmem>>, vector<16xf32>,
      %swap3A_94 = vector.shape_cast %swap3A_93 : vector<16xf32> to vector<16xf32>
      %swap3A_95 = vector.shape_cast %broadcast_in_dim3A_4 : vector<16xf32> to vector<16xf32>
      tpu.vector_store %arg8[%swap3A_92], %swap3A_95 {strides = array<i32>} : memref<4096xf32, #tpu.memory_space<vmem>>, vector<16xf32>,
      %swap3A_96 = arith.constant 368 : index
      %swap3A_97 = tpu.vector_load %arg8[%swap3A_96] {strides = array<i32>} : memref<4096xf32, #tpu.memory_space<vmem>>, vector<16xf32>,
      %swap3A_98 = vector.shape_cast %swap3A_97 : vector<16xf32> to vector<16xf32>
      %swap3A_99 = vector.shape_cast %broadcast_in_dim3A_4 : vector<16xf32> to vector<16xf32>
      tpu.vector_store %arg8[%swap3A_96], %swap3A_99 {strides = array<i32>} : memref<4096xf32, #tpu.memory_space<vmem>>, vector<16xf32>,
      %swap3A_100 = arith.constant 384 : index
      %swap3A_101 = tpu.vector_load %arg8[%swap3A_100] {strides = array<i32>} : memref<4096xf32, #tpu.memory_space<vmem>>, vector<16xf32>,
      %swap3A_102 = vector.shape_cast %swap3A_101 : vector<16xf32> to vector<16xf32>
      %swap3A_103 = vector.shape_cast %broadcast_in_dim3A_4 : vector<16xf32> to vector<16xf32>
      tpu.vector_store %arg8[%swap3A_100], %swap3A_103 {strides = array<i32>} : memref<4096xf32, #tpu.memory_space<vmem>>, vector<16xf32>,
      %swap3A_104 = arith.constant 400 : index
      %swap3A_105 = tpu.vector_load %arg8[%swap3A_104] {strides = array<i32>} : memref<4096xf32, #tpu.memory_space<vmem>>, vector<16xf32>,
      %swap3A_106 = vector.shape_cast %swap3A_105 : vector<16xf32> to vector<16xf32>
      %swap3A_107 = vector.shape_cast %broadcast_in_dim3A_4 : vector<16xf32> to vector<16xf32>
      tpu.vector_store %arg8[%swap3A_104], %swap3A_107 {strides = array<i32>} : memref<4096xf32, #tpu.memory_space<vmem>>, vector<16xf32>,
      %swap3A_108 = arith.constant 416 : index
      %swap3A_109 = tpu.vector_load %arg8[%swap3A_108] {strides = array<i32>} : memref<4096xf32, #tpu.memory_space<vmem>>, vector<16xf32>,
      %swap3A_110 = vector.shape_cast %swap3A_109 : vector<16xf32> to vector<16xf32>
      %swap3A_111 = vector.shape_cast %broadcast_in_dim3A_4 : vector<16xf32> to vector<16xf32>
      tpu.vector_store %arg8[%swap3A_108], %swap3A_111 {strides = array<i32>} : memref<4096xf32, #tpu.memory_space<vmem>>, vector<16xf32>,
      %swap3A_112 = arith.constant 432 : index
      %swap3A_113 = tpu.vector_load %arg8[%swap3A_112] {strides = array<i32>} : memref<4096xf32, #tpu.memory_space<vmem>>, vector<16xf32>,
      %swap3A_114 = vector.shape_cast %swap3A_113 : vector<16xf32> to vector<16xf32>
      %swap3A_115 = vector.shape_cast %broadcast_in_dim3A_4 : vector<16xf32> to vector<16xf32>
      tpu.vector_store %arg8[%swap3A_112], %swap3A_115 {strides = array<i32>} : memref<4096xf32, #tpu.memory_space<vmem>>, vector<16xf32>,
      %swap3A_116 = arith.constant 448 : index
      %swap3A_117 = tpu.vector_load %arg8[%swap3A_116] {strides = array<i32>} : memref<4096xf32, #tpu.memory_space<vmem>>, vector<16xf32>,
      %swap3A_118 = vector.shape_cast %swap3A_117 : vector<16xf32> to vector<16xf32>
      %swap3A_119 = vector.shape_cast %broadcast_in_dim3A_4 : vector<16xf32> to vector<16xf32>
      tpu.vector_store %arg8[%swap3A_116], %swap3A_119 {strides = array<i32>} : memref<4096xf32, #tpu.memory_space<vmem>>, vector<16xf32>,
      %swap3A_120 = arith.constant 464 : index
      %swap3A_121 = tpu.vector_load %arg8[%swap3A_120] {strides = array<i32>} : memref<4096xf32, #tpu.memory_space<vmem>>, vector<16xf32>,
      %swap3A_122 = vector.shape_cast %swap3A_121 : vector<16xf32> to vector<16xf32>
      %swap3A_123 = vector.shape_cast %broadcast_in_dim3A_4 : vector<16xf32> to vector<16xf32>
      tpu.vector_store %arg8[%swap3A_120], %swap3A_123 {strides = array<i32>} : memref<4096xf32, #tpu.memory_space<vmem>>, vector<16xf32>,
      %swap3A_124 = arith.constant 480 : index
      %swap3A_125 = tpu.vector_load %arg8[%swap3A_124] {strides = array<i32>} : memref<4096xf32, #tpu.memory_space<vmem>>, vector<16xf32>,
      %swap3A_126 = vector.shape_cast %swap3A_125 : vector<16xf32> to vector<16xf32>
      %swap3A_127 = vector.shape_cast %broadcast_in_dim3A_4 : vector<16xf32> to vector<16xf32>
      tpu.vector_store %arg8[%swap3A_124], %swap3A_127 {strides = array<i32>} : memref<4096xf32, #tpu.memory_space<vmem>>, vector<16xf32>,
      %swap3A_128 = arith.constant 496 : index
      %swap3A_129 = tpu.vector_load %arg8[%swap3A_128] {strides = array<i32>} : memref<4096xf32, #tpu.memory_space<vmem>>, vector<16xf32>,
      %swap3A_130 = vector.shape_cast %swap3A_129 : vector<16xf32> to vector<16xf32>
      %swap3A_131 = vector.shape_cast %broadcast_in_dim3A_4 : vector<16xf32> to vector<16xf32>
      tpu.vector_store %arg8[%swap3A_128], %swap3A_131 {strides = array<i32>} : memref<4096xf32, #tpu.memory_space<vmem>>, vector<16xf32>,
      %swap3A_132 = arith.constant 512 : index
      %swap3A_133 = tpu.vector_load %arg8[%swap3A_132] {strides = array<i32>} : memref<4096xf32, #tpu.memory_space<vmem>>, vector<16xf32>,
      %swap3A_134 = vector.shape_cast %swap3A_133 : vector<16xf32> to vector<16xf32>
      %swap3A_135 = vector.shape_cast %broadcast_in_dim3A_4 : vector<16xf32> to vector<16xf32>
      tpu.vector_store %arg8[%swap3A_132], %swap3A_135 {strides = array<i32>} : memref<4096xf32, #tpu.memory_space<vmem>>, vector<16xf32>,
      %swap3A_136 = arith.constant 528 : index
      %swap3A_137 = tpu.vector_load %arg8[%swap3A_136] {strides = array<i32>} : memref<4096xf32, #tpu.memory_space<vmem>>, vector<16xf32>,
      %swap3A_138 = vector.shape_cast %swap3A_137 : vector<16xf32> to vector<16xf32>
      %swap3A_139 = vector.shape_cast %broadcast_in_dim3A_4 : vector<16xf32> to vector<16xf32>
      tpu.vector_store %arg8[%swap3A_136], %swap3A_139 {strides = array<i32>} : memref<4096xf32, #tpu.memory_space<vmem>>, vector<16xf32>,
      %swap3A_140 = arith.constant 544 : index
      %swap3A_141 = tpu.vector_load %arg8[%swap3A_140] {strides = array<i32>} : memref<4096xf32, #tpu.memory_space<vmem>>, vector<16xf32>,
      %swap3A_142 = vector.shape_cast %swap3A_141 : vector<16xf32> to vector<16xf32>
      %swap3A_143 = vector.shape_cast %broadcast_in_dim3A_4 : vector<16xf32> to vector<16xf32>
      tpu.vector_store %arg8[%swap3A_140], %swap3A_143 {strides = array<i32>} : memref<4096xf32, #tpu.memory_space<vmem>>, vector<16xf32>,
      %swap3A_144 = arith.constant 560 : index
      %swap3A_145 = tpu.vector_load %arg8[%swap3A_144] {strides = array<i32>} : memref<4096xf32, #tpu.memory_space<vmem>>, vector<16xf32>,
      %swap3A_146 = vector.shape_cast %swap3A_145 : vector<16xf32> to vector<16xf32>
      %swap3A_147 = vector.shape_cast %broadcast_in_dim3A_4 : vector<16xf32> to vector<16xf32>
      tpu.vector_store %arg8[%swap3A_144], %swap3A_147 {strides = array<i32>} : memref<4096xf32, #tpu.memory_space<vmem>>, vector<16xf32>,
      %swap3A_148 = arith.constant 576 : index
      %swap3A_149 = tpu.vector_load %arg8[%swap3A_148] {strides = array<i32>} : memref<4096xf32, #tpu.memory_space<vmem>>, vector<16xf32>,
      %swap3A_150 = vector.shape_cast %swap3A_149 : vector<16xf32> to vector<16xf32>
      %swap3A_151 = vector.shape_cast %broadcast_in_dim3A_4 : vector<16xf32> to vector<16xf32>
      tpu.vector_store %arg8[%swap3A_148], %swap3A_151 {strides = array<i32>} : memref<4096xf32, #tpu.memory_space<vmem>>, vector<16xf32>,
      %swap3A_152 = arith.constant 592 : index
      %swap3A_153 = tpu.vector_load %arg8[%swap3A_152] {strides = array<i32>} : memref<4096xf32, #tpu.memory_space<vmem>>, vector<16xf32>,
      %swap3A_154 = vector.shape_cast %swap3A_153 : vector<16xf32> to vector<16xf32>
      %swap3A_155 = vector.shape_cast %broadcast_in_dim3A_4 : vector<16xf32> to vector<16xf32>
      tpu.vector_store %arg8[%swap3A_152], %swap3A_155 {strides = array<i32>} : memref<4096xf32, #tpu.memory_space<vmem>>, vector<16xf32>,
      %swap3A_156 = arith.constant 608 : index
      %swap3A_157 = tpu.vector_load %arg8[%swap3A_156] {strides = array<i32>} : memref<4096xf32, #tpu.memory_space<vmem>>, vector<16xf32>,
      %swap3A_158 = vector.shape_cast %swap3A_157 : vector<16xf32> to vector<16xf32>
      %swap3A_159 = vector.shape_cast %broadcast_in_dim3A_4 : vector<16xf32> to vector<16xf32>
      tpu.vector_store %arg8[%swap3A_156], %swap3A_159 {strides = array<i32>} : memref<4096xf32, #tpu.memory_space<vmem>>, vector<16xf32>,
      %swap3A_160 = arith.constant 624 : index
      %swap3A_161 = tpu.vector_load %arg8[%swap3A_160] {strides = array<i32>} : memref<4096xf32, #tpu.memory_space<vmem>>, vector<16xf32>,
      %swap3A_162 = vector.shape_cast %swap3A_161 : vector<16xf32> to vector<16xf32>
      %swap3A_163 = vector.shape_cast %broadcast_in_dim3A_4 : vector<16xf32> to vector<16xf32>
      tpu.vector_store %arg8[%swap3A_160], %swap3A_163 {strides = array<i32>} : memref<4096xf32, #tpu.memory_space<vmem>>, vector<16xf32>,
      %swap3A_164 = arith.constant 640 : index
      %swap3A_165 = tpu.vector_load %arg8[%swap3A_164] {strides = array<i32>} : memref<4096xf32, #tpu.memory_space<vmem>>, vector<16xf32>,
      %swap3A_166 = vector.shape_cast %swap3A_165 : vector<16xf32> to vector<16xf32>
      %swap3A_167 = vector.shape_cast %broadcast_in_dim3A_4 : vector<16xf32> to vector<16xf32>
      tpu.vector_store %arg8[%swap3A_164], %swap3A_167 {strides = array<i32>} : memref<4096xf32, #tpu.memory_space<vmem>>, vector<16xf32>,
      %swap3A_168 = arith.constant 656 : index
      %swap3A_169 = tpu.vector_load %arg8[%swap3A_168] {strides = array<i32>} : memref<4096xf32, #tpu.memory_space<vmem>>, vector<16xf32>,
      %swap3A_170 = vector.shape_cast %swap3A_169 : vector<16xf32> to vector<16xf32>
      %swap3A_171 = vector.shape_cast %broadcast_in_dim3A_4 : vector<16xf32> to vector<16xf32>
      tpu.vector_store %arg8[%swap3A_168], %swap3A_171 {strides = array<i32>} : memref<4096xf32, #tpu.memory_space<vmem>>, vector<16xf32>,
      %swap3A_172 = arith.constant 672 : index
      %swap3A_173 = tpu.vector_load %arg8[%swap3A_172] {strides = array<i32>} : memref<4096xf32, #tpu.memory_space<vmem>>, vector<16xf32>,
      %swap3A_174 = vector.shape_cast %swap3A_173 : vector<16xf32> to vector<16xf32>
      %swap3A_175 = vector.shape_cast %broadcast_in_dim3A_4 : vector<16xf32> to vector<16xf32>
      tpu.vector_store %arg8[%swap3A_172], %swap3A_175 {strides = array<i32>} : memref<4096xf32, #tpu.memory_space<vmem>>, vector<16xf32>,
      %swap3A_176 = arith.constant 688 : index
      %swap3A_177 = tpu.vector_load %arg8[%swap3A_176] {strides = array<i32>} : memref<4096xf32, #tpu.memory_space<vmem>>, vector<16xf32>,
      %swap3A_178 = vector.shape_cast %swap3A_177 : vector<16xf32> to vector<16xf32>
      %swap3A_179 = vector.shape_cast %broadcast_in_dim3A_4 : vector<16xf32> to vector<16xf32>
      tpu.vector_store %arg8[%swap3A_176], %swap3A_179 {strides = array<i32>} : memref<4096xf32, #tpu.memory_space<vmem>>, vector<16xf32>,
      %swap3A_180 = arith.constant 704 : index
      %swap3A_181 = tpu.vector_load %arg8[%swap3A_180] {strides = array<i32>} : memref<4096xf32, #tpu.memory_space<vmem>>, vector<16xf32>,
      %swap3A_182 = vector.shape_cast %swap3A_181 : vector<16xf32> to vector<16xf32>
      %swap3A_183 = vector.shape_cast %broadcast_in_dim3A_4 : vector<16xf32> to vector<16xf32>
      tpu.vector_store %arg8[%swap3A_180], %swap3A_183 {strides = array<i32>} : memref<4096xf32, #tpu.memory_space<vmem>>, vector<16xf32>,
      %swap3A_184 = arith.constant 720 : index
      %swap3A_185 = tpu.vector_load %arg8[%swap3A_184] {strides = array<i32>} : memref<4096xf32, #tpu.memory_space<vmem>>, vector<16xf32>,
      %swap3A_186 = vector.shape_cast %swap3A_185 : vector<16xf32> to vector<16xf32>
      %swap3A_187 = vector.shape_cast %broadcast_in_dim3A_4 : vector<16xf32> to vector<16xf32>
      tpu.vector_store %arg8[%swap3A_184], %swap3A_187 {strides = array<i32>} : memref<4096xf32, #tpu.memory_space<vmem>>, vector<16xf32>,
      %swap3A_188 = arith.constant 736 : index
      %swap3A_189 = tpu.vector_load %arg8[%swap3A_188] {strides = array<i32>} : memref<4096xf32, #tpu.memory_space<vmem>>, vector<16xf32>,
      %swap3A_190 = vector.shape_cast %swap3A_189 : vector<16xf32> to vector<16xf32>
      %swap3A_191 = vector.shape_cast %broadcast_in_dim3A_4 : vector<16xf32> to vector<16xf32>
      tpu.vector_store %arg8[%swap3A_188], %swap3A_191 {strides = array<i32>} : memref<4096xf32, #tpu.memory_space<vmem>>, vector<16xf32>,
      %swap3A_192 = arith.constant 752 : index
      %swap3A_193 = tpu.vector_load %arg8[%swap3A_192] {strides = array<i32>} : memref<4096xf32, #tpu.memory_space<vmem>>, vector<16xf32>,
      %swap3A_194 = vector.shape_cast %swap3A_193 : vector<16xf32> to vector<16xf32>
      %swap3A_195 = vector.shape_cast %broadcast_in_dim3A_4 : vector<16xf32> to vector<16xf32>
      tpu.vector_store %arg8[%swap3A_192], %swap3A_195 {strides = array<i32>} : memref<4096xf32, #tpu.memory_space<vmem>>, vector<16xf32>,
      %swap3A_196 = arith.constant 768 : index
      %swap3A_197 = tpu.vector_load %arg8[%swap3A_196] {strides = array<i32>} : memref<4096xf32, #tpu.memory_space<vmem>>, vector<16xf32>,
      %swap3A_198 = vector.shape_cast %swap3A_197 : vector<16xf32> to vector<16xf32>
      %swap3A_199 = vector.shape_cast %broadcast_in_dim3A_4 : vector<16xf32> to vector<16xf32>
      tpu.vector_store %arg8[%swap3A_196], %swap3A_199 {strides = array<i32>} : memref<4096xf32, #tpu.memory_space<vmem>>, vector<16xf32>,
      %swap3A_200 = arith.constant 784 : index
      %swap3A_201 = tpu.vector_load %arg8[%swap3A_200] {strides = array<i32>} : memref<4096xf32, #tpu.memory_space<vmem>>, vector<16xf32>,
      %swap3A_202 = vector.shape_cast %swap3A_201 : vector<16xf32> to vector<16xf32>
      %swap3A_203 = vector.shape_cast %broadcast_in_dim3A_4 : vector<16xf32> to vector<16xf32>
      tpu.vector_store %arg8[%swap3A_200], %swap3A_203 {strides = array<i32>} : memref<4096xf32, #tpu.memory_space<vmem>>, vector<16xf32>,
      %swap3A_204 = arith.constant 800 : index
      %swap3A_205 = tpu.vector_load %arg8[%swap3A_204] {strides = array<i32>} : memref<4096xf32, #tpu.memory_space<vmem>>, vector<16xf32>,
      %swap3A_206 = vector.shape_cast %swap3A_205 : vector<16xf32> to vector<16xf32>
      %swap3A_207 = vector.shape_cast %broadcast_in_dim3A_4 : vector<16xf32> to vector<16xf32>
      tpu.vector_store %arg8[%swap3A_204], %swap3A_207 {strides = array<i32>} : memref<4096xf32, #tpu.memory_space<vmem>>, vector<16xf32>,
      %swap3A_208 = arith.constant 816 : index
      %swap3A_209 = tpu.vector_load %arg8[%swap3A_208] {strides = array<i32>} : memref<4096xf32, #tpu.memory_space<vmem>>, vector<16xf32>,
      %swap3A_210 = vector.shape_cast %swap3A_209 : vector<16xf32> to vector<16xf32>
      %swap3A_211 = vector.shape_cast %broadcast_in_dim3A_4 : vector<16xf32> to vector<16xf32>
      tpu.vector_store %arg8[%swap3A_208], %swap3A_211 {strides = array<i32>} : memref<4096xf32, #tpu.memory_space<vmem>>, vector<16xf32>,
      %swap3A_212 = arith.constant 832 : index
      %swap3A_213 = tpu.vector_load %arg8[%swap3A_212] {strides = array<i32>} : memref<4096xf32, #tpu.memory_space<vmem>>, vector<16xf32>,
      %swap3A_214 = vector.shape_cast %swap3A_213 : vector<16xf32> to vector<16xf32>
      %swap3A_215 = vector.shape_cast %broadcast_in_dim3A_4 : vector<16xf32> to vector<16xf32>
      tpu.vector_store %arg8[%swap3A_212], %swap3A_215 {strides = array<i32>} : memref<4096xf32, #tpu.memory_space<vmem>>, vector<16xf32>,
      %swap3A_216 = arith.constant 848 : index
      %swap3A_217 = tpu.vector_load %arg8[%swap3A_216] {strides = array<i32>} : memref<4096xf32, #tpu.memory_space<vmem>>, vector<16xf32>,
      %swap3A_218 = vector.shape_cast %swap3A_217 : vector<16xf32> to vector<16xf32>
      %swap3A_219 = vector.shape_cast %broadcast_in_dim3A_4 : vector<16xf32> to vector<16xf32>
      tpu.vector_store %arg8[%swap3A_216], %swap3A_219 {strides = array<i32>} : memref<4096xf32, #tpu.memory_space<vmem>>, vector<16xf32>,
      %swap3A_220 = arith.constant 864 : index
      %swap3A_221 = tpu.vector_load %arg8[%swap3A_220] {strides = array<i32>} : memref<4096xf32, #tpu.memory_space<vmem>>, vector<16xf32>,
      %swap3A_222 = vector.shape_cast %swap3A_221 : vector<16xf32> to vector<16xf32>
      %swap3A_223 = vector.shape_cast %broadcast_in_dim3A_4 : vector<16xf32> to vector<16xf32>
      tpu.vector_store %arg8[%swap3A_220], %swap3A_223 {strides = array<i32>} : memref<4096xf32, #tpu.memory_space<vmem>>, vector<16xf32>,
      %swap3A_224 = arith.constant 880 : index
      %swap3A_225 = tpu.vector_load %arg8[%swap3A_224] {strides = array<i32>} : memref<4096xf32, #tpu.memory_space<vmem>>, vector<16xf32>,
      %swap3A_226 = vector.shape_cast %swap3A_225 : vector<16xf32> to vector<16xf32>
      %swap3A_227 = vector.shape_cast %broadcast_in_dim3A_4 : vector<16xf32> to vector<16xf32>
      tpu.vector_store %arg8[%swap3A_224], %swap3A_227 {strides = array<i32>} : memref<4096xf32, #tpu.memory_space<vmem>>, vector<16xf32>,
      %swap3A_228 = arith.constant 896 : index
      %swap3A_229 = tpu.vector_load %arg8[%swap3A_228] {strides = array<i32>} : memref<4096xf32, #tpu.memory_space<vmem>>, vector<16xf32>,
      %swap3A_230 = vector.shape_cast %swap3A_229 : vector<16xf32> to vector<16xf32>
      %swap3A_231 = vector.shape_cast %broadcast_in_dim3A_4 : vector<16xf32> to vector<16xf32>
      tpu.vector_store %arg8[%swap3A_228], %swap3A_231 {strides = array<i32>} : memref<4096xf32, #tpu.memory_space<vmem>>, vector<16xf32>,
      %swap3A_232 = arith.constant 912 : index
      %swap3A_233 = tpu.vector_load %arg8[%swap3A_232] {strides = array<i32>} : memref<4096xf32, #tpu.memory_space<vmem>>, vector<16xf32>,
      %swap3A_234 = vector.shape_cast %swap3A_233 : vector<16xf32> to vector<16xf32>
      %swap3A_235 = vector.shape_cast %broadcast_in_dim3A_4 : vector<16xf32> to vector<16xf32>
      tpu.vector_store %arg8[%swap3A_232], %swap3A_235 {strides = array<i32>} : memref<4096xf32, #tpu.memory_space<vmem>>, vector<16xf32>,
      %swap3A_236 = arith.constant 928 : index
      %swap3A_237 = tpu.vector_load %arg8[%swap3A_236] {strides = array<i32>} : memref<4096xf32, #tpu.memory_space<vmem>>, vector<16xf32>,
      %swap3A_238 = vector.shape_cast %swap3A_237 : vector<16xf32> to vector<16xf32>
      %swap3A_239 = vector.shape_cast %broadcast_in_dim3A_4 : vector<16xf32> to vector<16xf32>
      tpu.vector_store %arg8[%swap3A_236], %swap3A_239 {strides = array<i32>} : memref<4096xf32, #tpu.memory_space<vmem>>, vector<16xf32>,
      %swap3A_240 = arith.constant 944 : index
      %swap3A_241 = tpu.vector_load %arg8[%swap3A_240] {strides = array<i32>} : memref<4096xf32, #tpu.memory_space<vmem>>, vector<16xf32>,
      %swap3A_242 = vector.shape_cast %swap3A_241 : vector<16xf32> to vector<16xf32>
      %swap3A_243 = vector.shape_cast %broadcast_in_dim3A_4 : vector<16xf32> to vector<16xf32>
      tpu.vector_store %arg8[%swap3A_240], %swap3A_243 {strides = array<i32>} : memref<4096xf32, #tpu.memory_space<vmem>>, vector<16xf32>,
      %swap3A_244 = arith.constant 960 : index
      %swap3A_245 = tpu.vector_load %arg8[%swap3A_244] {strides = array<i32>} : memref<4096xf32, #tpu.memory_space<vmem>>, vector<16xf32>,
      %swap3A_246 = vector.shape_cast %swap3A_245 : vector<16xf32> to vector<16xf32>
      %swap3A_247 = vector.shape_cast %broadcast_in_dim3A_4 : vector<16xf32> to vector<16xf32>
      tpu.vector_store %arg8[%swap3A_244], %swap3A_247 {strides = array<i32>} : memref<4096xf32, #tpu.memory_space<vmem>>, vector<16xf32>,
      %swap3A_248 = arith.constant 976 : index
      %swap3A_249 = tpu.vector_load %arg8[%swap3A_248] {strides = array<i32>} : memref<4096xf32, #tpu.memory_space<vmem>>, vector<16xf32>,
      %swap3A_250 = vector.shape_cast %swap3A_249 : vector<16xf32> to vector<16xf32>
      %swap3A_251 = vector.shape_cast %broadcast_in_dim3A_4 : vector<16xf32> to vector<16xf32>
      tpu.vector_store %arg8[%swap3A_248], %swap3A_251 {strides = array<i32>} : memref<4096xf32, #tpu.memory_space<vmem>>, vector<16xf32>,
      %swap3A_252 = arith.constant 992 : index
      %swap3A_253 = tpu.vector_load %arg8[%swap3A_252] {strides = array<i32>} : memref<4096xf32, #tpu.memory_space<vmem>>, vector<16xf32>,
      %swap3A_254 = vector.shape_cast %swap3A_253 : vector<16xf32> to vector<16xf32>
      %swap3A_255 = vector.shape_cast %broadcast_in_dim3A_4 : vector<16xf32> to vector<16xf32>
      tpu.vector_store %arg8[%swap3A_252], %swap3A_255 {strides = array<i32>} : memref<4096xf32, #tpu.memory_space<vmem>>, vector<16xf32>,
      %swap3A_256 = arith.constant 1008 : index
      %swap3A_257 = tpu.vector_load %arg8[%swap3A_256] {strides = array<i32>} : memref<4096xf32, #tpu.memory_space<vmem>>, vector<16xf32>,
      %swap3A_258 = vector.shape_cast %swap3A_257 : vector<16xf32> to vector<16xf32>
      %swap3A_259 = vector.shape_cast %broadcast_in_dim3A_4 : vector<16xf32> to vector<16xf32>
      tpu.vector_store %arg8[%swap3A_256], %swap3A_259 {strides = array<i32>} : memref<4096xf32, #tpu.memory_space<vmem>>, vector<16xf32>,
      %swap3A_260 = arith.constant 1024 : index
      %swap3A_261 = tpu.vector_load %arg8[%swap3A_260] {strides = array<i32>} : memref<4096xf32, #tpu.memory_space<vmem>>, vector<16xf32>,
      %swap3A_262 = vector.shape_cast %swap3A_261 : vector<16xf32> to vector<16xf32>
      %swap3A_263 = vector.shape_cast %broadcast_in_dim3A_4 : vector<16xf32> to vector<16xf32>
      tpu.vector_store %arg8[%swap3A_260], %swap3A_263 {strides = array<i32>} : memref<4096xf32, #tpu.memory_space<vmem>>, vector<16xf32>,
      %swap3A_264 = arith.constant 1040 : index
      %swap3A_265 = tpu.vector_load %arg8[%swap3A_264] {strides = array<i32>} : memref<4096xf32, #tpu.memory_space<vmem>>, vector<16xf32>,
      %swap3A_266 = vector.shape_cast %swap3A_265 : vector<16xf32> to vector<16xf32>
      %swap3A_267 = vector.shape_cast %broadcast_in_dim3A_4 : vector<16xf32> to vector<16xf32>
      tpu.vector_store %arg8[%swap3A_264], %swap3A_267 {strides = array<i32>} : memref<4096xf32, #tpu.memory_space<vmem>>, vector<16xf32>,
      %swap3A_268 = arith.constant 1056 : index
      %swap3A_269 = tpu.vector_load %arg8[%swap3A_268] {strides = array<i32>} : memref<4096xf32, #tpu.memory_space<vmem>>, vector<16xf32>,
      %swap3A_270 = vector.shape_cast %swap3A_269 : vector<16xf32> to vector<16xf32>
      %swap3A_271 = vector.shape_cast %broadcast_in_dim3A_4 : vector<16xf32> to vector<16xf32>
      tpu.vector_store %arg8[%swap3A_268], %swap3A_271 {strides = array<i32>} : memref<4096xf32, #tpu.memory_space<vmem>>, vector<16xf32>,
      %swap3A_272 = arith.constant 1072 : index
      %swap3A_273 = tpu.vector_load %arg8[%swap3A_272] {strides = array<i32>} : memref<4096xf32, #tpu.memory_space<vmem>>, vector<16xf32>,
      %swap3A_274 = vector.shape_cast %swap3A_273 : vector<16xf32> to vector<16xf32>
      %swap3A_275 = vector.shape_cast %broadcast_in_dim3A_4 : vector<16xf32> to vector<16xf32>
      tpu.vector_store %arg8[%swap3A_272], %swap3A_275 {strides = array<i32>} : memref<4096xf32, #tpu.memory_space<vmem>>, vector<16xf32>,
      %swap3A_276 = arith.constant 1088 : index
      %swap3A_277 = tpu.vector_load %arg8[%swap3A_276] {strides = array<i32>} : memref<4096xf32, #tpu.memory_space<vmem>>, vector<16xf32>,
      %swap3A_278 = vector.shape_cast %swap3A_277 : vector<16xf32> to vector<16xf32>
      %swap3A_279 = vector.shape_cast %broadcast_in_dim3A_4 : vector<16xf32> to vector<16xf32>
      tpu.vector_store %arg8[%swap3A_276], %swap3A_279 {strides = array<i32>} : memref<4096xf32, #tpu.memory_space<vmem>>, vector<16xf32>,
      %swap3A_280 = arith.constant 1104 : index
      %swap3A_281 = tpu.vector_load %arg8[%swap3A_280] {strides = array<i32>} : memref<4096xf32, #tpu.memory_space<vmem>>, vector<16xf32>,
      %swap3A_282 = vector.shape_cast %swap3A_281 : vector<16xf32> to vector<16xf32>
      %swap3A_283 = vector.shape_cast %broadcast_in_dim3A_4 : vector<16xf32> to vector<16xf32>
      tpu.vector_store %arg8[%swap3A_280], %swap3A_283 {strides = array<i32>} : memref<4096xf32, #tpu.memory_space<vmem>>, vector<16xf32>,
      %swap3A_284 = arith.constant 1120 : index
      %swap3A_285 = tpu.vector_load %arg8[%swap3A_284] {strides = array<i32>} : memref<4096xf32, #tpu.memory_space<vmem>>, vector<16xf32>,
      %swap3A_286 = vector.shape_cast %swap3A_285 : vector<16xf32> to vector<16xf32>
      %swap3A_287 = vector.shape_cast %broadcast_in_dim3A_4 : vector<16xf32> to vector<16xf32>
      tpu.vector_store %arg8[%swap3A_284], %swap3A_287 {strides = array<i32>} : memref<4096xf32, #tpu.memory_space<vmem>>, vector<16xf32>,
      %swap3A_288 = arith.constant 1136 : index
      %swap3A_289 = tpu.vector_load %arg8[%swap3A_288] {strides = array<i32>} : memref<4096xf32, #tpu.memory_space<vmem>>, vector<16xf32>,
      %swap3A_290 = vector.shape_cast %swap3A_289 : vector<16xf32> to vector<16xf32>
      %swap3A_291 = vector.shape_cast %broadcast_in_dim3A_4 : vector<16xf32> to vector<16xf32>
      tpu.vector_store %arg8[%swap3A_288], %swap3A_291 {strides = array<i32>} : memref<4096xf32, #tpu.memory_space<vmem>>, vector<16xf32>,
      %swap3A_292 = arith.constant 1152 : index
      %swap3A_293 = tpu.vector_load %arg8[%swap3A_292] {strides = array<i32>} : memref<4096xf32, #tpu.memory_space<vmem>>, vector<16xf32>,
      %swap3A_294 = vector.shape_cast %swap3A_293 : vector<16xf32> to vector<16xf32>
      %swap3A_295 = vector.shape_cast %broadcast_in_dim3A_4 : vector<16xf32> to vector<16xf32>
      tpu.vector_store %arg8[%swap3A_292], %swap3A_295 {strides = array<i32>} : memref<4096xf32, #tpu.memory_space<vmem>>, vector<16xf32>,
      %swap3A_296 = arith.constant 1168 : index
      %swap3A_297 = tpu.vector_load %arg8[%swap3A_296] {strides = array<i32>} : memref<4096xf32, #tpu.memory_space<vmem>>, vector<16xf32>,
      %swap3A_298 = vector.shape_cast %swap3A_297 : vector<16xf32> to vector<16xf32>
      %swap3A_299 = vector.shape_cast %broadcast_in_dim3A_4 : vector<16xf32> to vector<16xf32>
      tpu.vector_store %arg8[%swap3A_296], %swap3A_299 {strides = array<i32>} : memref<4096xf32, #tpu.memory_space<vmem>>, vector<16xf32>,
      %swap3A_300 = arith.constant 1184 : index
      %swap3A_301 = tpu.vector_load %arg8[%swap3A_300] {strides = array<i32>} : memref<4096xf32, #tpu.memory_space<vmem>>, vector<16xf32>,
      %swap3A_302 = vector.shape_cast %swap3A_301 : vector<16xf32> to vector<16xf32>
      %swap3A_303 = vector.shape_cast %broadcast_in_dim3A_4 : vector<16xf32> to vector<16xf32>
      tpu.vector_store %arg8[%swap3A_300], %swap3A_303 {strides = array<i32>} : memref<4096xf32, #tpu.memory_space<vmem>>, vector<16xf32>,
      %swap3A_304 = arith.constant 1200 : index
      %swap3A_305 = tpu.vector_load %arg8[%swap3A_304] {strides = array<i32>} : memref<4096xf32, #tpu.memory_space<vmem>>, vector<16xf32>,
      %swap3A_306 = vector.shape_cast %swap3A_305 : vector<16xf32> to vector<16xf32>
      %swap3A_307 = vector.shape_cast %broadcast_in_dim3A_4 : vector<16xf32> to vector<16xf32>
      tpu.vector_store %arg8[%swap3A_304], %swap3A_307 {strides = array<i32>} : memref<4096xf32, #tpu.memory_space<vmem>>, vector<16xf32>,
      %swap3A_308 = arith.constant 1216 : index
      %swap3A_309 = tpu.vector_load %arg8[%swap3A_308] {strides = array<i32>} : memref<4096xf32, #tpu.memory_space<vmem>>, vector<16xf32>,
      %swap3A_310 = vector.shape_cast %swap3A_309 : vector<16xf32> to vector<16xf32>
      %swap3A_311 = vector.shape_cast %broadcast_in_dim3A_4 : vector<16xf32> to vector<16xf32>
      tpu.vector_store %arg8[%swap3A_308], %swap3A_311 {strides = array<i32>} : memref<4096xf32, #tpu.memory_space<vmem>>, vector<16xf32>,
      %swap3A_312 = arith.constant 1232 : index
      %swap3A_313 = tpu.vector_load %arg8[%swap3A_312] {strides = array<i32>} : memref<4096xf32, #tpu.memory_space<vmem>>, vector<16xf32>,
      %swap3A_314 = vector.shape_cast %swap3A_313 : vector<16xf32> to vector<16xf32>
      %swap3A_315 = vector.shape_cast %broadcast_in_dim3A_4 : vector<16xf32> to vector<16xf32>
      tpu.vector_store %arg8[%swap3A_312], %swap3A_315 {strides = array<i32>} : memref<4096xf32, #tpu.memory_space<vmem>>, vector<16xf32>,
      %swap3A_316 = arith.constant 1248 : index
      %swap3A_317 = tpu.vector_load %arg8[%swap3A_316] {strides = array<i32>} : memref<4096xf32, #tpu.memory_space<vmem>>, vector<16xf32>,
      %swap3A_318 = vector.shape_cast %swap3A_317 : vector<16xf32> to vector<16xf32>
      %swap3A_319 = vector.shape_cast %broadcast_in_dim3A_4 : vector<16xf32> to vector<16xf32>
      tpu.vector_store %arg8[%swap3A_316], %swap3A_319 {strides = array<i32>} : memref<4096xf32, #tpu.memory_space<vmem>>, vector<16xf32>,
      %swap3A_320 = arith.constant 1264 : index
      %swap3A_321 = tpu.vector_load %arg8[%swap3A_320] {strides = array<i32>} : memref<4096xf32, #tpu.memory_space<vmem>>, vector<16xf32>,
      %swap3A_322 = vector.shape_cast %swap3A_321 : vector<16xf32> to vector<16xf32>
      %swap3A_323 = vector.shape_cast %broadcast_in_dim3A_4 : vector<16xf32> to vector<16xf32>
      tpu.vector_store %arg8[%swap3A_320], %swap3A_323 {strides = array<i32>} : memref<4096xf32, #tpu.memory_space<vmem>>, vector<16xf32>,
      %swap3A_324 = arith.constant 1280 : index
      %swap3A_325 = tpu.vector_load %arg8[%swap3A_324] {strides = array<i32>} : memref<4096xf32, #tpu.memory_space<vmem>>, vector<16xf32>,
      %swap3A_326 = vector.shape_cast %swap3A_325 : vector<16xf32> to vector<16xf32>
      %swap3A_327 = vector.shape_cast %broadcast_in_dim3A_4 : vector<16xf32> to vector<16xf32>
      tpu.vector_store %arg8[%swap3A_324], %swap3A_327 {strides = array<i32>} : memref<4096xf32, #tpu.memory_space<vmem>>, vector<16xf32>,
      %swap3A_328 = arith.constant 1296 : index
      %swap3A_329 = tpu.vector_load %arg8[%swap3A_328] {strides = array<i32>} : memref<4096xf32, #tpu.memory_space<vmem>>, vector<16xf32>,
      %swap3A_330 = vector.shape_cast %swap3A_329 : vector<16xf32> to vector<16xf32>
      %swap3A_331 = vector.shape_cast %broadcast_in_dim3A_4 : vector<16xf32> to vector<16xf32>
      tpu.vector_store %arg8[%swap3A_328], %swap3A_331 {strides = array<i32>} : memref<4096xf32, #tpu.memory_space<vmem>>, vector<16xf32>,
      %swap3A_332 = arith.constant 1312 : index
      %swap3A_333 = tpu.vector_load %arg8[%swap3A_332] {strides = array<i32>} : memref<4096xf32, #tpu.memory_space<vmem>>, vector<16xf32>,
      %swap3A_334 = vector.shape_cast %swap3A_333 : vector<16xf32> to vector<16xf32>
      %swap3A_335 = vector.shape_cast %broadcast_in_dim3A_4 : vector<16xf32> to vector<16xf32>
      tpu.vector_store %arg8[%swap3A_332], %swap3A_335 {strides = array<i32>} : memref<4096xf32, #tpu.memory_space<vmem>>, vector<16xf32>,
      %swap3A_336 = arith.constant 1328 : index
      %swap3A_337 = tpu.vector_load %arg8[%swap3A_336] {strides = array<i32>} : memref<4096xf32, #tpu.memory_space<vmem>>, vector<16xf32>,
      %swap3A_338 = vector.shape_cast %swap3A_337 : vector<16xf32> to vector<16xf32>
      %swap3A_339 = vector.shape_cast %broadcast_in_dim3A_4 : vector<16xf32> to vector<16xf32>
      tpu.vector_store %arg8[%swap3A_336], %swap3A_339 {strides = array<i32>} : memref<4096xf32, #tpu.memory_space<vmem>>, vector<16xf32>,
      %swap3A_340 = arith.constant 1344 : index
      %swap3A_341 = tpu.vector_load %arg8[%swap3A_340] {strides = array<i32>} : memref<4096xf32, #tpu.memory_space<vmem>>, vector<16xf32>,
      %swap3A_342 = vector.shape_cast %swap3A_341 : vector<16xf32> to vector<16xf32>
      %swap3A_343 = vector.shape_cast %broadcast_in_dim3A_4 : vector<16xf32> to vector<16xf32>
      tpu.vector_store %arg8[%swap3A_340], %swap3A_343 {strides = array<i32>} : memref<4096xf32, #tpu.memory_space<vmem>>, vector<16xf32>,
      %swap3A_344 = arith.constant 1360 : index
      %swap3A_345 = tpu.vector_load %arg8[%swap3A_344] {strides = array<i32>} : memref<4096xf32, #tpu.memory_space<vmem>>, vector<16xf32>,
      %swap3A_346 = vector.shape_cast %swap3A_345 : vector<16xf32> to vector<16xf32>
      %swap3A_347 = vector.shape_cast %broadcast_in_dim3A_4 : vector<16xf32> to vector<16xf32>
      tpu.vector_store %arg8[%swap3A_344], %swap3A_347 {strides = array<i32>} : memref<4096xf32, #tpu.memory_space<vmem>>, vector<16xf32>,
      %swap3A_348 = arith.constant 1376 : index
      %swap3A_349 = tpu.vector_load %arg8[%swap3A_348] {strides = array<i32>} : memref<4096xf32, #tpu.memory_space<vmem>>, vector<16xf32>,
      %swap3A_350 = vector.shape_cast %swap3A_349 : vector<16xf32> to vector<16xf32>
      %swap3A_351 = vector.shape_cast %broadcast_in_dim3A_4 : vector<16xf32> to vector<16xf32>
      tpu.vector_store %arg8[%swap3A_348], %swap3A_351 {strides = array<i32>} : memref<4096xf32, #tpu.memory_space<vmem>>, vector<16xf32>,
      %swap3A_352 = arith.constant 1392 : index
      %swap3A_353 = tpu.vector_load %arg8[%swap3A_352] {strides = array<i32>} : memref<4096xf32, #tpu.memory_space<vmem>>, vector<16xf32>,
      %swap3A_354 = vector.shape_cast %swap3A_353 : vector<16xf32> to vector<16xf32>
      %swap3A_355 = vector.shape_cast %broadcast_in_dim3A_4 : vector<16xf32> to vector<16xf32>
      tpu.vector_store %arg8[%swap3A_352], %swap3A_355 {strides = array<i32>} : memref<4096xf32, #tpu.memory_space<vmem>>, vector<16xf32>,
      %swap3A_356 = arith.constant 1408 : index
      %swap3A_357 = tpu.vector_load %arg8[%swap3A_356] {strides = array<i32>} : memref<4096xf32, #tpu.memory_space<vmem>>, vector<16xf32>,
      %swap3A_358 = vector.shape_cast %swap3A_357 : vector<16xf32> to vector<16xf32>
      %swap3A_359 = vector.shape_cast %broadcast_in_dim3A_4 : vector<16xf32> to vector<16xf32>
      tpu.vector_store %arg8[%swap3A_356], %swap3A_359 {strides = array<i32>} : memref<4096xf32, #tpu.memory_space<vmem>>, vector<16xf32>,
      %swap3A_360 = arith.constant 1424 : index
      %swap3A_361 = tpu.vector_load %arg8[%swap3A_360] {strides = array<i32>} : memref<4096xf32, #tpu.memory_space<vmem>>, vector<16xf32>,
      %swap3A_362 = vector.shape_cast %swap3A_361 : vector<16xf32> to vector<16xf32>
      %swap3A_363 = vector.shape_cast %broadcast_in_dim3A_4 : vector<16xf32> to vector<16xf32>
      tpu.vector_store %arg8[%swap3A_360], %swap3A_363 {strides = array<i32>} : memref<4096xf32, #tpu.memory_space<vmem>>, vector<16xf32>,
      %swap3A_364 = arith.constant 1440 : index
      %swap3A_365 = tpu.vector_load %arg8[%swap3A_364] {strides = array<i32>} : memref<4096xf32, #tpu.memory_space<vmem>>, vector<16xf32>,
      %swap3A_366 = vector.shape_cast %swap3A_365 : vector<16xf32> to vector<16xf32>
      %swap3A_367 = vector.shape_cast %broadcast_in_dim3A_4 : vector<16xf32> to vector<16xf32>
      tpu.vector_store %arg8[%swap3A_364], %swap3A_367 {strides = array<i32>} : memref<4096xf32, #tpu.memory_space<vmem>>, vector<16xf32>,
      %swap3A_368 = arith.constant 1456 : index
      %swap3A_369 = tpu.vector_load %arg8[%swap3A_368] {strides = array<i32>} : memref<4096xf32, #tpu.memory_space<vmem>>, vector<16xf32>,
      %swap3A_370 = vector.shape_cast %swap3A_369 : vector<16xf32> to vector<16xf32>
      %swap3A_371 = vector.shape_cast %broadcast_in_dim3A_4 : vector<16xf32> to vector<16xf32>
      tpu.vector_store %arg8[%swap3A_368], %swap3A_371 {strides = array<i32>} : memref<4096xf32, #tpu.memory_space<vmem>>, vector<16xf32>,
      %swap3A_372 = arith.constant 1472 : index
      %swap3A_373 = tpu.vector_load %arg8[%swap3A_372] {strides = array<i32>} : memref<4096xf32, #tpu.memory_space<vmem>>, vector<16xf32>,
      %swap3A_374 = vector.shape_cast %swap3A_373 : vector<16xf32> to vector<16xf32>
      %swap3A_375 = vector.shape_cast %broadcast_in_dim3A_4 : vector<16xf32> to vector<16xf32>
      tpu.vector_store %arg8[%swap3A_372], %swap3A_375 {strides = array<i32>} : memref<4096xf32, #tpu.memory_space<vmem>>, vector<16xf32>,
      %swap3A_376 = arith.constant 1488 : index
      %swap3A_377 = tpu.vector_load %arg8[%swap3A_376] {strides = array<i32>} : memref<4096xf32, #tpu.memory_space<vmem>>, vector<16xf32>,
      %swap3A_378 = vector.shape_cast %swap3A_377 : vector<16xf32> to vector<16xf32>
      %swap3A_379 = vector.shape_cast %broadcast_in_dim3A_4 : vector<16xf32> to vector<16xf32>
      tpu.vector_store %arg8[%swap3A_376], %swap3A_379 {strides = array<i32>} : memref<4096xf32, #tpu.memory_space<vmem>>, vector<16xf32>,
      %swap3A_380 = arith.constant 1504 : index
      %swap3A_381 = tpu.vector_load %arg8[%swap3A_380] {strides = array<i32>} : memref<4096xf32, #tpu.memory_space<vmem>>, vector<16xf32>,
      %swap3A_382 = vector.shape_cast %swap3A_381 : vector<16xf32> to vector<16xf32>
      %swap3A_383 = vector.shape_cast %broadcast_in_dim3A_4 : vector<16xf32> to vector<16xf32>
      tpu.vector_store %arg8[%swap3A_380], %swap3A_383 {strides = array<i32>} : memref<4096xf32, #tpu.memory_space<vmem>>, vector<16xf32>,
      %swap3A_384 = arith.constant 1520 : index
      %swap3A_385 = tpu.vector_load %arg8[%swap3A_384] {strides = array<i32>} : memref<4096xf32, #tpu.memory_space<vmem>>, vector<16xf32>,
      %swap3A_386 = vector.shape_cast %swap3A_385 : vector<16xf32> to vector<16xf32>
      %swap3A_387 = vector.shape_cast %broadcast_in_dim3A_4 : vector<16xf32> to vector<16xf32>
      tpu.vector_store %arg8[%swap3A_384], %swap3A_387 {strides = array<i32>} : memref<4096xf32, #tpu.memory_space<vmem>>, vector<16xf32>,
      %swap3A_388 = arith.constant 1536 : index
      %swap3A_389 = tpu.vector_load %arg8[%swap3A_388] {strides = array<i32>} : memref<4096xf32, #tpu.memory_space<vmem>>, vector<16xf32>,
      %swap3A_390 = vector.shape_cast %swap3A_389 : vector<16xf32> to vector<16xf32>
      %swap3A_391 = vector.shape_cast %broadcast_in_dim3A_4 : vector<16xf32> to vector<16xf32>
      tpu.vector_store %arg8[%swap3A_388], %swap3A_391 {strides = array<i32>} : memref<4096xf32, #tpu.memory_space<vmem>>, vector<16xf32>,
      %swap3A_392 = arith.constant 1552 : index
      %swap3A_393 = tpu.vector_load %arg8[%swap3A_392] {strides = array<i32>} : memref<4096xf32, #tpu.memory_space<vmem>>, vector<16xf32>,
      %swap3A_394 = vector.shape_cast %swap3A_393 : vector<16xf32> to vector<16xf32>
      %swap3A_395 = vector.shape_cast %broadcast_in_dim3A_4 : vector<16xf32> to vector<16xf32>
      tpu.vector_store %arg8[%swap3A_392], %swap3A_395 {strides = array<i32>} : memref<4096xf32, #tpu.memory_space<vmem>>, vector<16xf32>,
      %swap3A_396 = arith.constant 1568 : index
      %swap3A_397 = tpu.vector_load %arg8[%swap3A_396] {strides = array<i32>} : memref<4096xf32, #tpu.memory_space<vmem>>, vector<16xf32>,
      %swap3A_398 = vector.shape_cast %swap3A_397 : vector<16xf32> to vector<16xf32>
      %swap3A_399 = vector.shape_cast %broadcast_in_dim3A_4 : vector<16xf32> to vector<16xf32>
      tpu.vector_store %arg8[%swap3A_396], %swap3A_399 {strides = array<i32>} : memref<4096xf32, #tpu.memory_space<vmem>>, vector<16xf32>,
      %swap3A_400 = arith.constant 1584 : index
      %swap3A_401 = tpu.vector_load %arg8[%swap3A_400] {strides = array<i32>} : memref<4096xf32, #tpu.memory_space<vmem>>, vector<16xf32>,
      %swap3A_402 = vector.shape_cast %swap3A_401 : vector<16xf32> to vector<16xf32>
      %swap3A_403 = vector.shape_cast %broadcast_in_dim3A_4 : vector<16xf32> to vector<16xf32>
      tpu.vector_store %arg8[%swap3A_400], %swap3A_403 {strides = array<i32>} : memref<4096xf32, #tpu.memory_space<vmem>>, vector<16xf32>,
      %swap3A_404 = arith.constant 1600 : index
      %swap3A_405 = tpu.vector_load %arg8[%swap3A_404] {strides = array<i32>} : memref<4096xf32, #tpu.memory_space<vmem>>, vector<16xf32>,
      %swap3A_406 = vector.shape_cast %swap3A_405 : vector<16xf32> to vector<16xf32>
      %swap3A_407 = vector.shape_cast %broadcast_in_dim3A_4 : vector<16xf32> to vector<16xf32>
      tpu.vector_store %arg8[%swap3A_404], %swap3A_407 {strides = array<i32>} : memref<4096xf32, #tpu.memory_space<vmem>>, vector<16xf32>,
      %swap3A_408 = arith.constant 1616 : index
      %swap3A_409 = tpu.vector_load %arg8[%swap3A_408] {strides = array<i32>} : memref<4096xf32, #tpu.memory_space<vmem>>, vector<16xf32>,
      %swap3A_410 = vector.shape_cast %swap3A_409 : vector<16xf32> to vector<16xf32>
      %swap3A_411 = vector.shape_cast %broadcast_in_dim3A_4 : vector<16xf32> to vector<16xf32>
      tpu.vector_store %arg8[%swap3A_408], %swap3A_411 {strides = array<i32>} : memref<4096xf32, #tpu.memory_space<vmem>>, vector<16xf32>,
      %swap3A_412 = arith.constant 1632 : index
      %swap3A_413 = tpu.vector_load %arg8[%swap3A_412] {strides = array<i32>} : memref<4096xf32, #tpu.memory_space<vmem>>, vector<16xf32>,
      %swap3A_414 = vector.shape_cast %swap3A_413 : vector<16xf32> to vector<16xf32>
      %swap3A_415 = vector.shape_cast %broadcast_in_dim3A_4 : vector<16xf32> to vector<16xf32>
      tpu.vector_store %arg8[%swap3A_412], %swap3A_415 {strides = array<i32>} : memref<4096xf32, #tpu.memory_space<vmem>>, vector<16xf32>,
      %swap3A_416 = arith.constant 1648 : index
      %swap3A_417 = tpu.vector_load %arg8[%swap3A_416] {strides = array<i32>} : memref<4096xf32, #tpu.memory_space<vmem>>, vector<16xf32>,
      %swap3A_418 = vector.shape_cast %swap3A_417 : vector<16xf32> to vector<16xf32>
      %swap3A_419 = vector.shape_cast %broadcast_in_dim3A_4 : vector<16xf32> to vector<16xf32>
      tpu.vector_store %arg8[%swap3A_416], %swap3A_419 {strides = array<i32>} : memref<4096xf32, #tpu.memory_space<vmem>>, vector<16xf32>,
      %swap3A_420 = arith.constant 1664 : index
      %swap3A_421 = tpu.vector_load %arg8[%swap3A_420] {strides = array<i32>} : memref<4096xf32, #tpu.memory_space<vmem>>, vector<16xf32>,
      %swap3A_422 = vector.shape_cast %swap3A_421 : vector<16xf32> to vector<16xf32>
      %swap3A_423 = vector.shape_cast %broadcast_in_dim3A_4 : vector<16xf32> to vector<16xf32>
      tpu.vector_store %arg8[%swap3A_420], %swap3A_423 {strides = array<i32>} : memref<4096xf32, #tpu.memory_space<vmem>>, vector<16xf32>,
      %swap3A_424 = arith.constant 1680 : index
      %swap3A_425 = tpu.vector_load %arg8[%swap3A_424] {strides = array<i32>} : memref<4096xf32, #tpu.memory_space<vmem>>, vector<16xf32>,
      %swap3A_426 = vector.shape_cast %swap3A_425 : vector<16xf32> to vector<16xf32>
      %swap3A_427 = vector.shape_cast %broadcast_in_dim3A_4 : vector<16xf32> to vector<16xf32>
      tpu.vector_store %arg8[%swap3A_424], %swap3A_427 {strides = array<i32>} : memref<4096xf32, #tpu.memory_space<vmem>>, vector<16xf32>,
      %swap3A_428 = arith.constant 1696 : index
      %swap3A_429 = tpu.vector_load %arg8[%swap3A_428] {strides = array<i32>} : memref<4096xf32, #tpu.memory_space<vmem>>, vector<16xf32>,
      %swap3A_430 = vector.shape_cast %swap3A_429 : vector<16xf32> to vector<16xf32>
      %swap3A_431 = vector.shape_cast %broadcast_in_dim3A_4 : vector<16xf32> to vector<16xf32>
      tpu.vector_store %arg8[%swap3A_428], %swap3A_431 {strides = array<i32>} : memref<4096xf32, #tpu.memory_space<vmem>>, vector<16xf32>,
      %swap3A_432 = arith.constant 1712 : index
      %swap3A_433 = tpu.vector_load %arg8[%swap3A_432] {strides = array<i32>} : memref<4096xf32, #tpu.memory_space<vmem>>, vector<16xf32>,
      %swap3A_434 = vector.shape_cast %swap3A_433 : vector<16xf32> to vector<16xf32>
      %swap3A_435 = vector.shape_cast %broadcast_in_dim3A_4 : vector<16xf32> to vector<16xf32>
      tpu.vector_store %arg8[%swap3A_432], %swap3A_435 {strides = array<i32>} : memref<4096xf32, #tpu.memory_space<vmem>>, vector<16xf32>,
      %swap3A_436 = arith.constant 1728 : index
      %swap3A_437 = tpu.vector_load %arg8[%swap3A_436] {strides = array<i32>} : memref<4096xf32, #tpu.memory_space<vmem>>, vector<16xf32>,
      %swap3A_438 = vector.shape_cast %swap3A_437 : vector<16xf32> to vector<16xf32>
      %swap3A_439 = vector.shape_cast %broadcast_in_dim3A_4 : vector<16xf32> to vector<16xf32>
      tpu.vector_store %arg8[%swap3A_436], %swap3A_439 {strides = array<i32>} : memref<4096xf32, #tpu.memory_space<vmem>>, vector<16xf32>,
      %swap3A_440 = arith.constant 1744 : index
      %swap3A_441 = tpu.vector_load %arg8[%swap3A_440] {strides = array<i32>} : memref<4096xf32, #tpu.memory_space<vmem>>, vector<16xf32>,
      %swap3A_442 = vector.shape_cast %swap3A_441 : vector<16xf32> to vector<16xf32>
      %swap3A_443 = vector.shape_cast %broadcast_in_dim3A_4 : vector<16xf32> to vector<16xf32>
      tpu.vector_store %arg8[%swap3A_440], %swap3A_443 {strides = array<i32>} : memref<4096xf32, #tpu.memory_space<vmem>>, vector<16xf32>,
      %swap3A_444 = arith.constant 1760 : index
      %swap3A_445 = tpu.vector_load %arg8[%swap3A_444] {strides = array<i32>} : memref<4096xf32, #tpu.memory_space<vmem>>, vector<16xf32>,
      %swap3A_446 = vector.shape_cast %swap3A_445 : vector<16xf32> to vector<16xf32>
      %swap3A_447 = vector.shape_cast %broadcast_in_dim3A_4 : vector<16xf32> to vector<16xf32>
      tpu.vector_store %arg8[%swap3A_444], %swap3A_447 {strides = array<i32>} : memref<4096xf32, #tpu.memory_space<vmem>>, vector<16xf32>,
      %swap3A_448 = arith.constant 1776 : index
      %swap3A_449 = tpu.vector_load %arg8[%swap3A_448] {strides = array<i32>} : memref<4096xf32, #tpu.memory_space<vmem>>, vector<16xf32>,
      %swap3A_450 = vector.shape_cast %swap3A_449 : vector<16xf32> to vector<16xf32>
      %swap3A_451 = vector.shape_cast %broadcast_in_dim3A_4 : vector<16xf32> to vector<16xf32>
      tpu.vector_store %arg8[%swap3A_448], %swap3A_451 {strides = array<i32>} : memref<4096xf32, #tpu.memory_space<vmem>>, vector<16xf32>,
      %swap3A_452 = arith.constant 1792 : index
      %swap3A_453 = tpu.vector_load %arg8[%swap3A_452] {strides = array<i32>} : memref<4096xf32, #tpu.memory_space<vmem>>, vector<16xf32>,
      %swap3A_454 = vector.shape_cast %swap3A_453 : vector<16xf32> to vector<16xf32>
      %swap3A_455 = vector.shape_cast %broadcast_in_dim3A_4 : vector<16xf32> to vector<16xf32>
      tpu.vector_store %arg8[%swap3A_452], %swap3A_455 {strides = array<i32>} : memref<4096xf32, #tpu.memory_space<vmem>>, vector<16xf32>,
      %swap3A_456 = arith.constant 1808 : index
      %swap3A_457 = tpu.vector_load %arg8[%swap3A_456] {strides = array<i32>} : memref<4096xf32, #tpu.memory_space<vmem>>, vector<16xf32>,
      %swap3A_458 = vector.shape_cast %swap3A_457 : vector<16xf32> to vector<16xf32>
      %swap3A_459 = vector.shape_cast %broadcast_in_dim3A_4 : vector<16xf32> to vector<16xf32>
      tpu.vector_store %arg8[%swap3A_456], %swap3A_459 {strides = array<i32>} : memref<4096xf32, #tpu.memory_space<vmem>>, vector<16xf32>,
      %swap3A_460 = arith.constant 1824 : index
      %swap3A_461 = tpu.vector_load %arg8[%swap3A_460] {strides = array<i32>} : memref<4096xf32, #tpu.memory_space<vmem>>, vector<16xf32>,
      %swap3A_462 = vector.shape_cast %swap3A_461 : vector<16xf32> to vector<16xf32>
      %swap3A_463 = vector.shape_cast %broadcast_in_dim3A_4 : vector<16xf32> to vector<16xf32>
      tpu.vector_store %arg8[%swap3A_460], %swap3A_463 {strides = array<i32>} : memref<4096xf32, #tpu.memory_space<vmem>>, vector<16xf32>,
      %swap3A_464 = arith.constant 1840 : index
      %swap3A_465 = tpu.vector_load %arg8[%swap3A_464] {strides = array<i32>} : memref<4096xf32, #tpu.memory_space<vmem>>, vector<16xf32>,
      %swap3A_466 = vector.shape_cast %swap3A_465 : vector<16xf32> to vector<16xf32>
      %swap3A_467 = vector.shape_cast %broadcast_in_dim3A_4 : vector<16xf32> to vector<16xf32>
      tpu.vector_store %arg8[%swap3A_464], %swap3A_467 {strides = array<i32>} : memref<4096xf32, #tpu.memory_space<vmem>>, vector<16xf32>,
      %swap3A_468 = arith.constant 1856 : index
      %swap3A_469 = tpu.vector_load %arg8[%swap3A_468] {strides = array<i32>} : memref<4096xf32, #tpu.memory_space<vmem>>, vector<16xf32>,
      %swap3A_470 = vector.shape_cast %swap3A_469 : vector<16xf32> to vector<16xf32>
      %swap3A_471 = vector.shape_cast %broadcast_in_dim3A_4 : vector<16xf32> to vector<16xf32>
      tpu.vector_store %arg8[%swap3A_468], %swap3A_471 {strides = array<i32>} : memref<4096xf32, #tpu.memory_space<vmem>>, vector<16xf32>,
      %swap3A_472 = arith.constant 1872 : index
      %swap3A_473 = tpu.vector_load %arg8[%swap3A_472] {strides = array<i32>} : memref<4096xf32, #tpu.memory_space<vmem>>, vector<16xf32>,
      %swap3A_474 = vector.shape_cast %swap3A_473 : vector<16xf32> to vector<16xf32>
      %swap3A_475 = vector.shape_cast %broadcast_in_dim3A_4 : vector<16xf32> to vector<16xf32>
      tpu.vector_store %arg8[%swap3A_472], %swap3A_475 {strides = array<i32>} : memref<4096xf32, #tpu.memory_space<vmem>>, vector<16xf32>,
      %swap3A_476 = arith.constant 1888 : index
      %swap3A_477 = tpu.vector_load %arg8[%swap3A_476] {strides = array<i32>} : memref<4096xf32, #tpu.memory_space<vmem>>, vector<16xf32>,
      %swap3A_478 = vector.shape_cast %swap3A_477 : vector<16xf32> to vector<16xf32>
      %swap3A_479 = vector.shape_cast %broadcast_in_dim3A_4 : vector<16xf32> to vector<16xf32>
      tpu.vector_store %arg8[%swap3A_476], %swap3A_479 {strides = array<i32>} : memref<4096xf32, #tpu.memory_space<vmem>>, vector<16xf32>,
      %swap3A_480 = arith.constant 1904 : index
      %swap3A_481 = tpu.vector_load %arg8[%swap3A_480] {strides = array<i32>} : memref<4096xf32, #tpu.memory_space<vmem>>, vector<16xf32>,
      %swap3A_482 = vector.shape_cast %swap3A_481 : vector<16xf32> to vector<16xf32>
      %swap3A_483 = vector.shape_cast %broadcast_in_dim3A_4 : vector<16xf32> to vector<16xf32>
      tpu.vector_store %arg8[%swap3A_480], %swap3A_483 {strides = array<i32>} : memref<4096xf32, #tpu.memory_space<vmem>>, vector<16xf32>,
      %swap3A_484 = arith.constant 1920 : index
      %swap3A_485 = tpu.vector_load %arg8[%swap3A_484] {strides = array<i32>} : memref<4096xf32, #tpu.memory_space<vmem>>, vector<16xf32>,
      %swap3A_486 = vector.shape_cast %swap3A_485 : vector<16xf32> to vector<16xf32>
      %swap3A_487 = vector.shape_cast %broadcast_in_dim3A_4 : vector<16xf32> to vector<16xf32>
      tpu.vector_store %arg8[%swap3A_484], %swap3A_487 {strides = array<i32>} : memref<4096xf32, #tpu.memory_space<vmem>>, vector<16xf32>,
      %swap3A_488 = arith.constant 1936 : index
      %swap3A_489 = tpu.vector_load %arg8[%swap3A_488] {strides = array<i32>} : memref<4096xf32, #tpu.memory_space<vmem>>, vector<16xf32>,
      %swap3A_490 = vector.shape_cast %swap3A_489 : vector<16xf32> to vector<16xf32>
      %swap3A_491 = vector.shape_cast %broadcast_in_dim3A_4 : vector<16xf32> to vector<16xf32>
      tpu.vector_store %arg8[%swap3A_488], %swap3A_491 {strides = array<i32>} : memref<4096xf32, #tpu.memory_space<vmem>>, vector<16xf32>,
      %swap3A_492 = arith.constant 1952 : index
      %swap3A_493 = tpu.vector_load %arg8[%swap3A_492] {strides = array<i32>} : memref<4096xf32, #tpu.memory_space<vmem>>, vector<16xf32>,
      %swap3A_494 = vector.shape_cast %swap3A_493 : vector<16xf32> to vector<16xf32>
      %swap3A_495 = vector.shape_cast %broadcast_in_dim3A_4 : vector<16xf32> to vector<16xf32>
      tpu.vector_store %arg8[%swap3A_492], %swap3A_495 {strides = array<i32>} : memref<4096xf32, #tpu.memory_space<vmem>>, vector<16xf32>,
      %swap3A_496 = arith.constant 1968 : index
      %swap3A_497 = tpu.vector_load %arg8[%swap3A_496] {strides = array<i32>} : memref<4096xf32, #tpu.memory_space<vmem>>, vector<16xf32>,
      %swap3A_498 = vector.shape_cast %swap3A_497 : vector<16xf32> to vector<16xf32>
      %swap3A_499 = vector.shape_cast %broadcast_in_dim3A_4 : vector<16xf32> to vector<16xf32>
      tpu.vector_store %arg8[%swap3A_496], %swap3A_499 {strides = array<i32>} : memref<4096xf32, #tpu.memory_space<vmem>>, vector<16xf32>,
      %swap3A_500 = arith.constant 1984 : index
      %swap3A_501 = tpu.vector_load %arg8[%swap3A_500] {strides = array<i32>} : memref<4096xf32, #tpu.memory_space<vmem>>, vector<16xf32>,
      %swap3A_502 = vector.shape_cast %swap3A_501 : vector<16xf32> to vector<16xf32>
      %swap3A_503 = vector.shape_cast %broadcast_in_dim3A_4 : vector<16xf32> to vector<16xf32>
      tpu.vector_store %arg8[%swap3A_500], %swap3A_503 {strides = array<i32>} : memref<4096xf32, #tpu.memory_space<vmem>>, vector<16xf32>,
      %swap3A_504 = arith.constant 2000 : index
      %swap3A_505 = tpu.vector_load %arg8[%swap3A_504] {strides = array<i32>} : memref<4096xf32, #tpu.memory_space<vmem>>, vector<16xf32>,
      %swap3A_506 = vector.shape_cast %swap3A_505 : vector<16xf32> to vector<16xf32>
      %swap3A_507 = vector.shape_cast %broadcast_in_dim3A_4 : vector<16xf32> to vector<16xf32>
      tpu.vector_store %arg8[%swap3A_504], %swap3A_507 {strides = array<i32>} : memref<4096xf32, #tpu.memory_space<vmem>>, vector<16xf32>,
      %swap3A_508 = arith.constant 2016 : index
      %swap3A_509 = tpu.vector_load %arg8[%swap3A_508] {strides = array<i32>} : memref<4096xf32, #tpu.memory_space<vmem>>, vector<16xf32>,
      %swap3A_510 = vector.shape_cast %swap3A_509 : vector<16xf32> to vector<16xf32>
      %swap3A_511 = vector.shape_cast %broadcast_in_dim3A_4 : vector<16xf32> to vector<16xf32>
      tpu.vector_store %arg8[%swap3A_508], %swap3A_511 {strides = array<i32>} : memref<4096xf32, #tpu.memory_space<vmem>>, vector<16xf32>,
      %swap3A_512 = arith.constant 2032 : index
      %swap3A_513 = tpu.vector_load %arg8[%swap3A_512] {strides = array<i32>} : memref<4096xf32, #tpu.memory_space<vmem>>, vector<16xf32>,
      %swap3A_514 = vector.shape_cast %swap3A_513 : vector<16xf32> to vector<16xf32>
      %swap3A_515 = vector.shape_cast %broadcast_in_dim3A_4 : vector<16xf32> to vector<16xf32>
      tpu.vector_store %arg8[%swap3A_512], %swap3A_515 {strides = array<i32>} : memref<4096xf32, #tpu.memory_space<vmem>>, vector<16xf32>,
      %swap3A_516 = arith.constant 2048 : index
      %swap3A_517 = tpu.vector_load %arg8[%swap3A_516] {strides = array<i32>} : memref<4096xf32, #tpu.memory_space<vmem>>, vector<16xf32>,
      %swap3A_518 = vector.shape_cast %swap3A_517 : vector<16xf32> to vector<16xf32>
      %swap3A_519 = vector.shape_cast %broadcast_in_dim3A_4 : vector<16xf32> to vector<16xf32>
      tpu.vector_store %arg8[%swap3A_516], %swap3A_519 {strides = array<i32>} : memref<4096xf32, #tpu.memory_space<vmem>>, vector<16xf32>,
      %swap3A_520 = arith.constant 2064 : index
      %swap3A_521 = tpu.vector_load %arg8[%swap3A_520] {strides = array<i32>} : memref<4096xf32, #tpu.memory_space<vmem>>, vector<16xf32>,
      %swap3A_522 = vector.shape_cast %swap3A_521 : vector<16xf32> to vector<16xf32>
      %swap3A_523 = vector.shape_cast %broadcast_in_dim3A_4 : vector<16xf32> to vector<16xf32>
      tpu.vector_store %arg8[%swap3A_520], %swap3A_523 {strides = array<i32>} : memref<4096xf32, #tpu.memory_space<vmem>>, vector<16xf32>,
      %swap3A_524 = arith.constant 2080 : index
      %swap3A_525 = tpu.vector_load %arg8[%swap3A_524] {strides = array<i32>} : memref<4096xf32, #tpu.memory_space<vmem>>, vector<16xf32>,
      %swap3A_526 = vector.shape_cast %swap3A_525 : vector<16xf32> to vector<16xf32>
      %swap3A_527 = vector.shape_cast %broadcast_in_dim3A_4 : vector<16xf32> to vector<16xf32>
      tpu.vector_store %arg8[%swap3A_524], %swap3A_527 {strides = array<i32>} : memref<4096xf32, #tpu.memory_space<vmem>>, vector<16xf32>,
      %swap3A_528 = arith.constant 2096 : index
      %swap3A_529 = tpu.vector_load %arg8[%swap3A_528] {strides = array<i32>} : memref<4096xf32, #tpu.memory_space<vmem>>, vector<16xf32>,
      %swap3A_530 = vector.shape_cast %swap3A_529 : vector<16xf32> to vector<16xf32>
      %swap3A_531 = vector.shape_cast %broadcast_in_dim3A_4 : vector<16xf32> to vector<16xf32>
      tpu.vector_store %arg8[%swap3A_528], %swap3A_531 {strides = array<i32>} : memref<4096xf32, #tpu.memory_space<vmem>>, vector<16xf32>,
      %swap3A_532 = arith.constant 2112 : index
      %swap3A_533 = tpu.vector_load %arg8[%swap3A_532] {strides = array<i32>} : memref<4096xf32, #tpu.memory_space<vmem>>, vector<16xf32>,
      %swap3A_534 = vector.shape_cast %swap3A_533 : vector<16xf32> to vector<16xf32>
      %swap3A_535 = vector.shape_cast %broadcast_in_dim3A_4 : vector<16xf32> to vector<16xf32>
      tpu.vector_store %arg8[%swap3A_532], %swap3A_535 {strides = array<i32>} : memref<4096xf32, #tpu.memory_space<vmem>>, vector<16xf32>,
      %swap3A_536 = arith.constant 2128 : index
      %swap3A_537 = tpu.vector_load %arg8[%swap3A_536] {strides = array<i32>} : memref<4096xf32, #tpu.memory_space<vmem>>, vector<16xf32>,
      %swap3A_538 = vector.shape_cast %swap3A_537 : vector<16xf32> to vector<16xf32>
      %swap3A_539 = vector.shape_cast %broadcast_in_dim3A_4 : vector<16xf32> to vector<16xf32>
      tpu.vector_store %arg8[%swap3A_536], %swap3A_539 {strides = array<i32>} : memref<4096xf32, #tpu.memory_space<vmem>>, vector<16xf32>,
      %swap3A_540 = arith.constant 2144 : index
      %swap3A_541 = tpu.vector_load %arg8[%swap3A_540] {strides = array<i32>} : memref<4096xf32, #tpu.memory_space<vmem>>, vector<16xf32>,
      %swap3A_542 = vector.shape_cast %swap3A_541 : vector<16xf32> to vector<16xf32>
      %swap3A_543 = vector.shape_cast %broadcast_in_dim3A_4 : vector<16xf32> to vector<16xf32>
      tpu.vector_store %arg8[%swap3A_540], %swap3A_543 {strides = array<i32>} : memref<4096xf32, #tpu.memory_space<vmem>>, vector<16xf32>,
      %swap3A_544 = arith.constant 2160 : index
      %swap3A_545 = tpu.vector_load %arg8[%swap3A_544] {strides = array<i32>} : memref<4096xf32, #tpu.memory_space<vmem>>, vector<16xf32>,
      %swap3A_546 = vector.shape_cast %swap3A_545 : vector<16xf32> to vector<16xf32>
      %swap3A_547 = vector.shape_cast %broadcast_in_dim3A_4 : vector<16xf32> to vector<16xf32>
      tpu.vector_store %arg8[%swap3A_544], %swap3A_547 {strides = array<i32>} : memref<4096xf32, #tpu.memory_space<vmem>>, vector<16xf32>,
      %swap3A_548 = arith.constant 2176 : index
      %swap3A_549 = tpu.vector_load %arg8[%swap3A_548] {strides = array<i32>} : memref<4096xf32, #tpu.memory_space<vmem>>, vector<16xf32>,
      %swap3A_550 = vector.shape_cast %swap3A_549 : vector<16xf32> to vector<16xf32>
      %swap3A_551 = vector.shape_cast %broadcast_in_dim3A_4 : vector<16xf32> to vector<16xf32>
      tpu.vector_store %arg8[%swap3A_548], %swap3A_551 {strides = array<i32>} : memref<4096xf32, #tpu.memory_space<vmem>>, vector<16xf32>,
      %swap3A_552 = arith.constant 2192 : index
      %swap3A_553 = tpu.vector_load %arg8[%swap3A_552] {strides = array<i32>} : memref<4096xf32, #tpu.memory_space<vmem>>, vector<16xf32>,
      %swap3A_554 = vector.shape_cast %swap3A_553 : vector<16xf32> to vector<16xf32>
      %swap3A_555 = vector.shape_cast %broadcast_in_dim3A_4 : vector<16xf32> to vector<16xf32>
      tpu.vector_store %arg8[%swap3A_552], %swap3A_555 {strides = array<i32>} : memref<4096xf32, #tpu.memory_space<vmem>>, vector<16xf32>,
      %swap3A_556 = arith.constant 2208 : index
      %swap3A_557 = tpu.vector_load %arg8[%swap3A_556] {strides = array<i32>} : memref<4096xf32, #tpu.memory_space<vmem>>, vector<16xf32>,
      %swap3A_558 = vector.shape_cast %swap3A_557 : vector<16xf32> to vector<16xf32>
      %swap3A_559 = vector.shape_cast %broadcast_in_dim3A_4 : vector<16xf32> to vector<16xf32>
      tpu.vector_store %arg8[%swap3A_556], %swap3A_559 {strides = array<i32>} : memref<4096xf32, #tpu.memory_space<vmem>>, vector<16xf32>,
      %swap3A_560 = arith.constant 2224 : index
      %swap3A_561 = tpu.vector_load %arg8[%swap3A_560] {strides = array<i32>} : memref<4096xf32, #tpu.memory_space<vmem>>, vector<16xf32>,
      %swap3A_562 = vector.shape_cast %swap3A_561 : vector<16xf32> to vector<16xf32>
      %swap3A_563 = vector.shape_cast %broadcast_in_dim3A_4 : vector<16xf32> to vector<16xf32>
      tpu.vector_store %arg8[%swap3A_560], %swap3A_563 {strides = array<i32>} : memref<4096xf32, #tpu.memory_space<vmem>>, vector<16xf32>,
      %swap3A_564 = arith.constant 2240 : index
      %swap3A_565 = tpu.vector_load %arg8[%swap3A_564] {strides = array<i32>} : memref<4096xf32, #tpu.memory_space<vmem>>, vector<16xf32>,
      %swap3A_566 = vector.shape_cast %swap3A_565 : vector<16xf32> to vector<16xf32>
      %swap3A_567 = vector.shape_cast %broadcast_in_dim3A_4 : vector<16xf32> to vector<16xf32>
      tpu.vector_store %arg8[%swap3A_564], %swap3A_567 {strides = array<i32>} : memref<4096xf32, #tpu.memory_space<vmem>>, vector<16xf32>,
      %swap3A_568 = arith.constant 2256 : index
      %swap3A_569 = tpu.vector_load %arg8[%swap3A_568] {strides = array<i32>} : memref<4096xf32, #tpu.memory_space<vmem>>, vector<16xf32>,
      %swap3A_570 = vector.shape_cast %swap3A_569 : vector<16xf32> to vector<16xf32>
      %swap3A_571 = vector.shape_cast %broadcast_in_dim3A_4 : vector<16xf32> to vector<16xf32>
      tpu.vector_store %arg8[%swap3A_568], %swap3A_571 {strides = array<i32>} : memref<4096xf32, #tpu.memory_space<vmem>>, vector<16xf32>,
      %swap3A_572 = arith.constant 2272 : index
      %swap3A_573 = tpu.vector_load %arg8[%swap3A_572] {strides = array<i32>} : memref<4096xf32, #tpu.memory_space<vmem>>, vector<16xf32>,
      %swap3A_574 = vector.shape_cast %swap3A_573 : vector<16xf32> to vector<16xf32>
      %swap3A_575 = vector.shape_cast %broadcast_in_dim3A_4 : vector<16xf32> to vector<16xf32>
      tpu.vector_store %arg8[%swap3A_572], %swap3A_575 {strides = array<i32>} : memref<4096xf32, #tpu.memory_space<vmem>>, vector<16xf32>,
      %swap3A_576 = arith.constant 2288 : index
      %swap3A_577 = tpu.vector_load %arg8[%swap3A_576] {strides = array<i32>} : memref<4096xf32, #tpu.memory_space<vmem>>, vector<16xf32>,
      %swap3A_578 = vector.shape_cast %swap3A_577 : vector<16xf32> to vector<16xf32>
      %swap3A_579 = vector.shape_cast %broadcast_in_dim3A_4 : vector<16xf32> to vector<16xf32>
      tpu.vector_store %arg8[%swap3A_576], %swap3A_579 {strides = array<i32>} : memref<4096xf32, #tpu.memory_space<vmem>>, vector<16xf32>,
      %swap3A_580 = arith.constant 2304 : index
      %swap3A_581 = tpu.vector_load %arg8[%swap3A_580] {strides = array<i32>} : memref<4096xf32, #tpu.memory_space<vmem>>, vector<16xf32>,
      %swap3A_582 = vector.shape_cast %swap3A_581 : vector<16xf32> to vector<16xf32>
      %swap3A_583 = vector.shape_cast %broadcast_in_dim3A_4 : vector<16xf32> to vector<16xf32>
      tpu.vector_store %arg8[%swap3A_580], %swap3A_583 {strides = array<i32>} : memref<4096xf32, #tpu.memory_space<vmem>>, vector<16xf32>,
      %swap3A_584 = arith.constant 2320 : index
      %swap3A_585 = tpu.vector_load %arg8[%swap3A_584] {strides = array<i32>} : memref<4096xf32, #tpu.memory_space<vmem>>, vector<16xf32>,
      %swap3A_586 = vector.shape_cast %swap3A_585 : vector<16xf32> to vector<16xf32>
      %swap3A_587 = vector.shape_cast %broadcast_in_dim3A_4 : vector<16xf32> to vector<16xf32>
      tpu.vector_store %arg8[%swap3A_584], %swap3A_587 {strides = array<i32>} : memref<4096xf32, #tpu.memory_space<vmem>>, vector<16xf32>,
      %swap3A_588 = arith.constant 2336 : index
      %swap3A_589 = tpu.vector_load %arg8[%swap3A_588] {strides = array<i32>} : memref<4096xf32, #tpu.memory_space<vmem>>, vector<16xf32>,
      %swap3A_590 = vector.shape_cast %swap3A_589 : vector<16xf32> to vector<16xf32>
      %swap3A_591 = vector.shape_cast %broadcast_in_dim3A_4 : vector<16xf32> to vector<16xf32>
      tpu.vector_store %arg8[%swap3A_588], %swap3A_591 {strides = array<i32>} : memref<4096xf32, #tpu.memory_space<vmem>>, vector<16xf32>,
      %swap3A_592 = arith.constant 2352 : index
      %swap3A_593 = tpu.vector_load %arg8[%swap3A_592] {strides = array<i32>} : memref<4096xf32, #tpu.memory_space<vmem>>, vector<16xf32>,
      %swap3A_594 = vector.shape_cast %swap3A_593 : vector<16xf32> to vector<16xf32>
      %swap3A_595 = vector.shape_cast %broadcast_in_dim3A_4 : vector<16xf32> to vector<16xf32>
      tpu.vector_store %arg8[%swap3A_592], %swap3A_595 {strides = array<i32>} : memref<4096xf32, #tpu.memory_space<vmem>>, vector<16xf32>,
      %swap3A_596 = arith.constant 2368 : index
      %swap3A_597 = tpu.vector_load %arg8[%swap3A_596] {strides = array<i32>} : memref<4096xf32, #tpu.memory_space<vmem>>, vector<16xf32>,
      %swap3A_598 = vector.shape_cast %swap3A_597 : vector<16xf32> to vector<16xf32>
      %swap3A_599 = vector.shape_cast %broadcast_in_dim3A_4 : vector<16xf32> to vector<16xf32>
      tpu.vector_store %arg8[%swap3A_596], %swap3A_599 {strides = array<i32>} : memref<4096xf32, #tpu.memory_space<vmem>>, vector<16xf32>,
      %swap3A_600 = arith.constant 2384 : index
      %swap3A_601 = tpu.vector_load %arg8[%swap3A_600] {strides = array<i32>} : memref<4096xf32, #tpu.memory_space<vmem>>, vector<16xf32>,
      %swap3A_602 = vector.shape_cast %swap3A_601 : vector<16xf32> to vector<16xf32>
      %swap3A_603 = vector.shape_cast %broadcast_in_dim3A_4 : vector<16xf32> to vector<16xf32>
      tpu.vector_store %arg8[%swap3A_600], %swap3A_603 {strides = array<i32>} : memref<4096xf32, #tpu.memory_space<vmem>>, vector<16xf32>,
      %swap3A_604 = arith.constant 2400 : index
      %swap3A_605 = tpu.vector_load %arg8[%swap3A_604] {strides = array<i32>} : memref<4096xf32, #tpu.memory_space<vmem>>, vector<16xf32>,
      %swap3A_606 = vector.shape_cast %swap3A_605 : vector<16xf32> to vector<16xf32>
      %swap3A_607 = vector.shape_cast %broadcast_in_dim3A_4 : vector<16xf32> to vector<16xf32>
      tpu.vector_store %arg8[%swap3A_604], %swap3A_607 {strides = array<i32>} : memref<4096xf32, #tpu.memory_space<vmem>>, vector<16xf32>,
      %swap3A_608 = arith.constant 2416 : index
      %swap3A_609 = tpu.vector_load %arg8[%swap3A_608] {strides = array<i32>} : memref<4096xf32, #tpu.memory_space<vmem>>, vector<16xf32>,
      %swap3A_610 = vector.shape_cast %swap3A_609 : vector<16xf32> to vector<16xf32>
      %swap3A_611 = vector.shape_cast %broadcast_in_dim3A_4 : vector<16xf32> to vector<16xf32>
      tpu.vector_store %arg8[%swap3A_608], %swap3A_611 {strides = array<i32>} : memref<4096xf32, #tpu.memory_space<vmem>>, vector<16xf32>,
      %swap3A_612 = arith.constant 2432 : index
      %swap3A_613 = tpu.vector_load %arg8[%swap3A_612] {strides = array<i32>} : memref<4096xf32, #tpu.memory_space<vmem>>, vector<16xf32>,
      %swap3A_614 = vector.shape_cast %swap3A_613 : vector<16xf32> to vector<16xf32>
      %swap3A_615 = vector.shape_cast %broadcast_in_dim3A_4 : vector<16xf32> to vector<16xf32>
      tpu.vector_store %arg8[%swap3A_612], %swap3A_615 {strides = array<i32>} : memref<4096xf32, #tpu.memory_space<vmem>>, vector<16xf32>,
      %swap3A_616 = arith.constant 2448 : index
      %swap3A_617 = tpu.vector_load %arg8[%swap3A_616] {strides = array<i32>} : memref<4096xf32, #tpu.memory_space<vmem>>, vector<16xf32>,
      %swap3A_618 = vector.shape_cast %swap3A_617 : vector<16xf32> to vector<16xf32>
      %swap3A_619 = vector.shape_cast %broadcast_in_dim3A_4 : vector<16xf32> to vector<16xf32>
      tpu.vector_store %arg8[%swap3A_616], %swap3A_619 {strides = array<i32>} : memref<4096xf32, #tpu.memory_space<vmem>>, vector<16xf32>,
      %swap3A_620 = arith.constant 2464 : index
      %swap3A_621 = tpu.vector_load %arg8[%swap3A_620] {strides = array<i32>} : memref<4096xf32, #tpu.memory_space<vmem>>, vector<16xf32>,
      %swap3A_622 = vector.shape_cast %swap3A_621 : vector<16xf32> to vector<16xf32>
      %swap3A_623 = vector.shape_cast %broadcast_in_dim3A_4 : vector<16xf32> to vector<16xf32>
      tpu.vector_store %arg8[%swap3A_620], %swap3A_623 {strides = array<i32>} : memref<4096xf32, #tpu.memory_space<vmem>>, vector<16xf32>,
      %swap3A_624 = arith.constant 2480 : index
      %swap3A_625 = tpu.vector_load %arg8[%swap3A_624] {strides = array<i32>} : memref<4096xf32, #tpu.memory_space<vmem>>, vector<16xf32>,
      %swap3A_626 = vector.shape_cast %swap3A_625 : vector<16xf32> to vector<16xf32>
      %swap3A_627 = vector.shape_cast %broadcast_in_dim3A_4 : vector<16xf32> to vector<16xf32>
      tpu.vector_store %arg8[%swap3A_624], %swap3A_627 {strides = array<i32>} : memref<4096xf32, #tpu.memory_space<vmem>>, vector<16xf32>,
      %swap3A_628 = arith.constant 2496 : index
      %swap3A_629 = tpu.vector_load %arg8[%swap3A_628] {strides = array<i32>} : memref<4096xf32, #tpu.memory_space<vmem>>, vector<16xf32>,
      %swap3A_630 = vector.shape_cast %swap3A_629 : vector<16xf32> to vector<16xf32>
      %swap3A_631 = vector.shape_cast %broadcast_in_dim3A_4 : vector<16xf32> to vector<16xf32>
      tpu.vector_store %arg8[%swap3A_628], %swap3A_631 {strides = array<i32>} : memref<4096xf32, #tpu.memory_space<vmem>>, vector<16xf32>,
      %swap3A_632 = arith.constant 2512 : index
      %swap3A_633 = tpu.vector_load %arg8[%swap3A_632] {strides = array<i32>} : memref<4096xf32, #tpu.memory_space<vmem>>, vector<16xf32>,
      %swap3A_634 = vector.shape_cast %swap3A_633 : vector<16xf32> to vector<16xf32>
      %swap3A_635 = vector.shape_cast %broadcast_in_dim3A_4 : vector<16xf32> to vector<16xf32>
      tpu.vector_store %arg8[%swap3A_632], %swap3A_635 {strides = array<i32>} : memref<4096xf32, #tpu.memory_space<vmem>>, vector<16xf32>,
      %swap3A_636 = arith.constant 2528 : index
      %swap3A_637 = tpu.vector_load %arg8[%swap3A_636] {strides = array<i32>} : memref<4096xf32, #tpu.memory_space<vmem>>, vector<16xf32>,
      %swap3A_638 = vector.shape_cast %swap3A_637 : vector<16xf32> to vector<16xf32>
      %swap3A_639 = vector.shape_cast %broadcast_in_dim3A_4 : vector<16xf32> to vector<16xf32>
      tpu.vector_store %arg8[%swap3A_636], %swap3A_639 {strides = array<i32>} : memref<4096xf32, #tpu.memory_space<vmem>>, vector<16xf32>,
      %swap3A_640 = arith.constant 2544 : index
      %swap3A_641 = tpu.vector_load %arg8[%swap3A_640] {strides = array<i32>} : memref<4096xf32, #tpu.memory_space<vmem>>, vector<16xf32>,
      %swap3A_642 = vector.shape_cast %swap3A_641 : vector<16xf32> to vector<16xf32>
      %swap3A_643 = vector.shape_cast %broadcast_in_dim3A_4 : vector<16xf32> to vector<16xf32>
      tpu.vector_store %arg8[%swap3A_640], %swap3A_643 {strides = array<i32>} : memref<4096xf32, #tpu.memory_space<vmem>>, vector<16xf32>,
      %swap3A_644 = arith.constant 2560 : index
      %swap3A_645 = tpu.vector_load %arg8[%swap3A_644] {strides = array<i32>} : memref<4096xf32, #tpu.memory_space<vmem>>, vector<16xf32>,
      %swap3A_646 = vector.shape_cast %swap3A_645 : vector<16xf32> to vector<16xf32>
      %swap3A_647 = vector.shape_cast %broadcast_in_dim3A_4 : vector<16xf32> to vector<16xf32>
      tpu.vector_store %arg8[%swap3A_644], %swap3A_647 {strides = array<i32>} : memref<4096xf32, #tpu.memory_space<vmem>>, vector<16xf32>,
      %swap3A_648 = arith.constant 2576 : index
      %swap3A_649 = tpu.vector_load %arg8[%swap3A_648] {strides = array<i32>} : memref<4096xf32, #tpu.memory_space<vmem>>, vector<16xf32>,
      %swap3A_650 = vector.shape_cast %swap3A_649 : vector<16xf32> to vector<16xf32>
      %swap3A_651 = vector.shape_cast %broadcast_in_dim3A_4 : vector<16xf32> to vector<16xf32>
      tpu.vector_store %arg8[%swap3A_648], %swap3A_651 {strides = array<i32>} : memref<4096xf32, #tpu.memory_space<vmem>>, vector<16xf32>,
      %swap3A_652 = arith.constant 2592 : index
      %swap3A_653 = tpu.vector_load %arg8[%swap3A_652] {strides = array<i32>} : memref<4096xf32, #tpu.memory_space<vmem>>, vector<16xf32>,
      %swap3A_654 = vector.shape_cast %swap3A_653 : vector<16xf32> to vector<16xf32>
      %swap3A_655 = vector.shape_cast %broadcast_in_dim3A_4 : vector<16xf32> to vector<16xf32>
      tpu.vector_store %arg8[%swap3A_652], %swap3A_655 {strides = array<i32>} : memref<4096xf32, #tpu.memory_space<vmem>>, vector<16xf32>,
      %swap3A_656 = arith.constant 2608 : index
      %swap3A_657 = tpu.vector_load %arg8[%swap3A_656] {strides = array<i32>} : memref<4096xf32, #tpu.memory_space<vmem>>, vector<16xf32>,
      %swap3A_658 = vector.shape_cast %swap3A_657 : vector<16xf32> to vector<16xf32>
      %swap3A_659 = vector.shape_cast %broadcast_in_dim3A_4 : vector<16xf32> to vector<16xf32>
      tpu.vector_store %arg8[%swap3A_656], %swap3A_659 {strides = array<i32>} : memref<4096xf32, #tpu.memory_space<vmem>>, vector<16xf32>,
      %swap3A_660 = arith.constant 2624 : index
      %swap3A_661 = tpu.vector_load %arg8[%swap3A_660] {strides = array<i32>} : memref<4096xf32, #tpu.memory_space<vmem>>, vector<16xf32>,
      %swap3A_662 = vector.shape_cast %swap3A_661 : vector<16xf32> to vector<16xf32>
      %swap3A_663 = vector.shape_cast %broadcast_in_dim3A_4 : vector<16xf32> to vector<16xf32>
      tpu.vector_store %arg8[%swap3A_660], %swap3A_663 {strides = array<i32>} : memref<4096xf32, #tpu.memory_space<vmem>>, vector<16xf32>,
      %swap3A_664 = arith.constant 2640 : index
      %swap3A_665 = tpu.vector_load %arg8[%swap3A_664] {strides = array<i32>} : memref<4096xf32, #tpu.memory_space<vmem>>, vector<16xf32>,
      %swap3A_666 = vector.shape_cast %swap3A_665 : vector<16xf32> to vector<16xf32>
      %swap3A_667 = vector.shape_cast %broadcast_in_dim3A_4 : vector<16xf32> to vector<16xf32>
      tpu.vector_store %arg8[%swap3A_664], %swap3A_667 {strides = array<i32>} : memref<4096xf32, #tpu.memory_space<vmem>>, vector<16xf32>,
      %swap3A_668 = arith.constant 2656 : index
      %swap3A_669 = tpu.vector_load %arg8[%swap3A_668] {strides = array<i32>} : memref<4096xf32, #tpu.memory_space<vmem>>, vector<16xf32>,
      %swap3A_670 = vector.shape_cast %swap3A_669 : vector<16xf32> to vector<16xf32>
      %swap3A_671 = vector.shape_cast %broadcast_in_dim3A_4 : vector<16xf32> to vector<16xf32>
      tpu.vector_store %arg8[%swap3A_668], %swap3A_671 {strides = array<i32>} : memref<4096xf32, #tpu.memory_space<vmem>>, vector<16xf32>,
      %swap3A_672 = arith.constant 2672 : index
      %swap3A_673 = tpu.vector_load %arg8[%swap3A_672] {strides = array<i32>} : memref<4096xf32, #tpu.memory_space<vmem>>, vector<16xf32>,
      %swap3A_674 = vector.shape_cast %swap3A_673 : vector<16xf32> to vector<16xf32>
      %swap3A_675 = vector.shape_cast %broadcast_in_dim3A_4 : vector<16xf32> to vector<16xf32>
      tpu.vector_store %arg8[%swap3A_672], %swap3A_675 {strides = array<i32>} : memref<4096xf32, #tpu.memory_space<vmem>>, vector<16xf32>,
      %swap3A_676 = arith.constant 2688 : index
      %swap3A_677 = tpu.vector_load %arg8[%swap3A_676] {strides = array<i32>} : memref<4096xf32, #tpu.memory_space<vmem>>, vector<16xf32>,
      %swap3A_678 = vector.shape_cast %swap3A_677 : vector<16xf32> to vector<16xf32>
      %swap3A_679 = vector.shape_cast %broadcast_in_dim3A_4 : vector<16xf32> to vector<16xf32>
      tpu.vector_store %arg8[%swap3A_676], %swap3A_679 {strides = array<i32>} : memref<4096xf32, #tpu.memory_space<vmem>>, vector<16xf32>,
      %swap3A_680 = arith.constant 2704 : index
      %swap3A_681 = tpu.vector_load %arg8[%swap3A_680] {strides = array<i32>} : memref<4096xf32, #tpu.memory_space<vmem>>, vector<16xf32>,
      %swap3A_682 = vector.shape_cast %swap3A_681 : vector<16xf32> to vector<16xf32>
      %swap3A_683 = vector.shape_cast %broadcast_in_dim3A_4 : vector<16xf32> to vector<16xf32>
      tpu.vector_store %arg8[%swap3A_680], %swap3A_683 {strides = array<i32>} : memref<4096xf32, #tpu.memory_space<vmem>>, vector<16xf32>,
      %swap3A_684 = arith.constant 2720 : index
      %swap3A_685 = tpu.vector_load %arg8[%swap3A_684] {strides = array<i32>} : memref<4096xf32, #tpu.memory_space<vmem>>, vector<16xf32>,
      %swap3A_686 = vector.shape_cast %swap3A_685 : vector<16xf32> to vector<16xf32>
      %swap3A_687 = vector.shape_cast %broadcast_in_dim3A_4 : vector<16xf32> to vector<16xf32>
      tpu.vector_store %arg8[%swap3A_684], %swap3A_687 {strides = array<i32>} : memref<4096xf32, #tpu.memory_space<vmem>>, vector<16xf32>,
      %swap3A_688 = arith.constant 2736 : index
      %swap3A_689 = tpu.vector_load %arg8[%swap3A_688] {strides = array<i32>} : memref<4096xf32, #tpu.memory_space<vmem>>, vector<16xf32>,
      %swap3A_690 = vector.shape_cast %swap3A_689 : vector<16xf32> to vector<16xf32>
      %swap3A_691 = vector.shape_cast %broadcast_in_dim3A_4 : vector<16xf32> to vector<16xf32>
      tpu.vector_store %arg8[%swap3A_688], %swap3A_691 {strides = array<i32>} : memref<4096xf32, #tpu.memory_space<vmem>>, vector<16xf32>,
      %swap3A_692 = arith.constant 2752 : index
      %swap3A_693 = tpu.vector_load %arg8[%swap3A_692] {strides = array<i32>} : memref<4096xf32, #tpu.memory_space<vmem>>, vector<16xf32>,
      %swap3A_694 = vector.shape_cast %swap3A_693 : vector<16xf32> to vector<16xf32>
      %swap3A_695 = vector.shape_cast %broadcast_in_dim3A_4 : vector<16xf32> to vector<16xf32>
      tpu.vector_store %arg8[%swap3A_692], %swap3A_695 {strides = array<i32>} : memref<4096xf32, #tpu.memory_space<vmem>>, vector<16xf32>,
      %swap3A_696 = arith.constant 2768 : index
      %swap3A_697 = tpu.vector_load %arg8[%swap3A_696] {strides = array<i32>} : memref<4096xf32, #tpu.memory_space<vmem>>, vector<16xf32>,
      %swap3A_698 = vector.shape_cast %swap3A_697 : vector<16xf32> to vector<16xf32>
      %swap3A_699 = vector.shape_cast %broadcast_in_dim3A_4 : vector<16xf32> to vector<16xf32>
      tpu.vector_store %arg8[%swap3A_696], %swap3A_699 {strides = array<i32>} : memref<4096xf32, #tpu.memory_space<vmem>>, vector<16xf32>,
      %swap3A_700 = arith.constant 2784 : index
      %swap3A_701 = tpu.vector_load %arg8[%swap3A_700] {strides = array<i32>} : memref<4096xf32, #tpu.memory_space<vmem>>, vector<16xf32>,
      %swap3A_702 = vector.shape_cast %swap3A_701 : vector<16xf32> to vector<16xf32>
      %swap3A_703 = vector.shape_cast %broadcast_in_dim3A_4 : vector<16xf32> to vector<16xf32>
      tpu.vector_store %arg8[%swap3A_700], %swap3A_703 {strides = array<i32>} : memref<4096xf32, #tpu.memory_space<vmem>>, vector<16xf32>,
      %swap3A_704 = arith.constant 2800 : index
      %swap3A_705 = tpu.vector_load %arg8[%swap3A_704] {strides = array<i32>} : memref<4096xf32, #tpu.memory_space<vmem>>, vector<16xf32>,
      %swap3A_706 = vector.shape_cast %swap3A_705 : vector<16xf32> to vector<16xf32>
      %swap3A_707 = vector.shape_cast %broadcast_in_dim3A_4 : vector<16xf32> to vector<16xf32>
      tpu.vector_store %arg8[%swap3A_704], %swap3A_707 {strides = array<i32>} : memref<4096xf32, #tpu.memory_space<vmem>>, vector<16xf32>,
      %swap3A_708 = arith.constant 2816 : index
      %swap3A_709 = tpu.vector_load %arg8[%swap3A_708] {strides = array<i32>} : memref<4096xf32, #tpu.memory_space<vmem>>, vector<16xf32>,
      %swap3A_710 = vector.shape_cast %swap3A_709 : vector<16xf32> to vector<16xf32>
      %swap3A_711 = vector.shape_cast %broadcast_in_dim3A_4 : vector<16xf32> to vector<16xf32>
      tpu.vector_store %arg8[%swap3A_708], %swap3A_711 {strides = array<i32>} : memref<4096xf32, #tpu.memory_space<vmem>>, vector<16xf32>,
      %swap3A_712 = arith.constant 2832 : index
      %swap3A_713 = tpu.vector_load %arg8[%swap3A_712] {strides = array<i32>} : memref<4096xf32, #tpu.memory_space<vmem>>, vector<16xf32>,
      %swap3A_714 = vector.shape_cast %swap3A_713 : vector<16xf32> to vector<16xf32>
      %swap3A_715 = vector.shape_cast %broadcast_in_dim3A_4 : vector<16xf32> to vector<16xf32>
      tpu.vector_store %arg8[%swap3A_712], %swap3A_715 {strides = array<i32>} : memref<4096xf32, #tpu.memory_space<vmem>>, vector<16xf32>,
      %swap3A_716 = arith.constant 2848 : index
      %swap3A_717 = tpu.vector_load %arg8[%swap3A_716] {strides = array<i32>} : memref<4096xf32, #tpu.memory_space<vmem>>, vector<16xf32>,
      %swap3A_718 = vector.shape_cast %swap3A_717 : vector<16xf32> to vector<16xf32>
      %swap3A_719 = vector.shape_cast %broadcast_in_dim3A_4 : vector<16xf32> to vector<16xf32>
      tpu.vector_store %arg8[%swap3A_716], %swap3A_719 {strides = array<i32>} : memref<4096xf32, #tpu.memory_space<vmem>>, vector<16xf32>,
      %swap3A_720 = arith.constant 2864 : index
      %swap3A_721 = tpu.vector_load %arg8[%swap3A_720] {strides = array<i32>} : memref<4096xf32, #tpu.memory_space<vmem>>, vector<16xf32>,
      %swap3A_722 = vector.shape_cast %swap3A_721 : vector<16xf32> to vector<16xf32>
      %swap3A_723 = vector.shape_cast %broadcast_in_dim3A_4 : vector<16xf32> to vector<16xf32>
      tpu.vector_store %arg8[%swap3A_720], %swap3A_723 {strides = array<i32>} : memref<4096xf32, #tpu.memory_space<vmem>>, vector<16xf32>,
      %swap3A_724 = arith.constant 2880 : index
      %swap3A_725 = tpu.vector_load %arg8[%swap3A_724] {strides = array<i32>} : memref<4096xf32, #tpu.memory_space<vmem>>, vector<16xf32>,
      %swap3A_726 = vector.shape_cast %swap3A_725 : vector<16xf32> to vector<16xf32>
      %swap3A_727 = vector.shape_cast %broadcast_in_dim3A_4 : vector<16xf32> to vector<16xf32>
      tpu.vector_store %arg8[%swap3A_724], %swap3A_727 {strides = array<i32>} : memref<4096xf32, #tpu.memory_space<vmem>>, vector<16xf32>,
      %swap3A_728 = arith.constant 2896 : index
      %swap3A_729 = tpu.vector_load %arg8[%swap3A_728] {strides = array<i32>} : memref<4096xf32, #tpu.memory_space<vmem>>, vector<16xf32>,
      %swap3A_730 = vector.shape_cast %swap3A_729 : vector<16xf32> to vector<16xf32>
      %swap3A_731 = vector.shape_cast %broadcast_in_dim3A_4 : vector<16xf32> to vector<16xf32>
      tpu.vector_store %arg8[%swap3A_728], %swap3A_731 {strides = array<i32>} : memref<4096xf32, #tpu.memory_space<vmem>>, vector<16xf32>,
      %swap3A_732 = arith.constant 2912 : index
      %swap3A_733 = tpu.vector_load %arg8[%swap3A_732] {strides = array<i32>} : memref<4096xf32, #tpu.memory_space<vmem>>, vector<16xf32>,
      %swap3A_734 = vector.shape_cast %swap3A_733 : vector<16xf32> to vector<16xf32>
      %swap3A_735 = vector.shape_cast %broadcast_in_dim3A_4 : vector<16xf32> to vector<16xf32>
      tpu.vector_store %arg8[%swap3A_732], %swap3A_735 {strides = array<i32>} : memref<4096xf32, #tpu.memory_space<vmem>>, vector<16xf32>,
      %swap3A_736 = arith.constant 2928 : index
      %swap3A_737 = tpu.vector_load %arg8[%swap3A_736] {strides = array<i32>} : memref<4096xf32, #tpu.memory_space<vmem>>, vector<16xf32>,
      %swap3A_738 = vector.shape_cast %swap3A_737 : vector<16xf32> to vector<16xf32>
      %swap3A_739 = vector.shape_cast %broadcast_in_dim3A_4 : vector<16xf32> to vector<16xf32>
      tpu.vector_store %arg8[%swap3A_736], %swap3A_739 {strides = array<i32>} : memref<4096xf32, #tpu.memory_space<vmem>>, vector<16xf32>,
      %swap3A_740 = arith.constant 2944 : index
      %swap3A_741 = tpu.vector_load %arg8[%swap3A_740] {strides = array<i32>} : memref<4096xf32, #tpu.memory_space<vmem>>, vector<16xf32>,
      %swap3A_742 = vector.shape_cast %swap3A_741 : vector<16xf32> to vector<16xf32>
      %swap3A_743 = vector.shape_cast %broadcast_in_dim3A_4 : vector<16xf32> to vector<16xf32>
      tpu.vector_store %arg8[%swap3A_740], %swap3A_743 {strides = array<i32>} : memref<4096xf32, #tpu.memory_space<vmem>>, vector<16xf32>,
      %swap3A_744 = arith.constant 2960 : index
      %swap3A_745 = tpu.vector_load %arg8[%swap3A_744] {strides = array<i32>} : memref<4096xf32, #tpu.memory_space<vmem>>, vector<16xf32>,
      %swap3A_746 = vector.shape_cast %swap3A_745 : vector<16xf32> to vector<16xf32>
      %swap3A_747 = vector.shape_cast %broadcast_in_dim3A_4 : vector<16xf32> to vector<16xf32>
      tpu.vector_store %arg8[%swap3A_744], %swap3A_747 {strides = array<i32>} : memref<4096xf32, #tpu.memory_space<vmem>>, vector<16xf32>,
      %swap3A_748 = arith.constant 2976 : index
      %swap3A_749 = tpu.vector_load %arg8[%swap3A_748] {strides = array<i32>} : memref<4096xf32, #tpu.memory_space<vmem>>, vector<16xf32>,
      %swap3A_750 = vector.shape_cast %swap3A_749 : vector<16xf32> to vector<16xf32>
      %swap3A_751 = vector.shape_cast %broadcast_in_dim3A_4 : vector<16xf32> to vector<16xf32>
      tpu.vector_store %arg8[%swap3A_748], %swap3A_751 {strides = array<i32>} : memref<4096xf32, #tpu.memory_space<vmem>>, vector<16xf32>,
      %swap3A_752 = arith.constant 2992 : index
      %swap3A_753 = tpu.vector_load %arg8[%swap3A_752] {strides = array<i32>} : memref<4096xf32, #tpu.memory_space<vmem>>, vector<16xf32>,
      %swap3A_754 = vector.shape_cast %swap3A_753 : vector<16xf32> to vector<16xf32>
      %swap3A_755 = vector.shape_cast %broadcast_in_dim3A_4 : vector<16xf32> to vector<16xf32>
      tpu.vector_store %arg8[%swap3A_752], %swap3A_755 {strides = array<i32>} : memref<4096xf32, #tpu.memory_space<vmem>>, vector<16xf32>,
      %swap3A_756 = arith.constant 3008 : index
      %swap3A_757 = tpu.vector_load %arg8[%swap3A_756] {strides = array<i32>} : memref<4096xf32, #tpu.memory_space<vmem>>, vector<16xf32>,
      %swap3A_758 = vector.shape_cast %swap3A_757 : vector<16xf32> to vector<16xf32>
      %swap3A_759 = vector.shape_cast %broadcast_in_dim3A_4 : vector<16xf32> to vector<16xf32>
      tpu.vector_store %arg8[%swap3A_756], %swap3A_759 {strides = array<i32>} : memref<4096xf32, #tpu.memory_space<vmem>>, vector<16xf32>,
      %swap3A_760 = arith.constant 3024 : index
      %swap3A_761 = tpu.vector_load %arg8[%swap3A_760] {strides = array<i32>} : memref<4096xf32, #tpu.memory_space<vmem>>, vector<16xf32>,
      %swap3A_762 = vector.shape_cast %swap3A_761 : vector<16xf32> to vector<16xf32>
      %swap3A_763 = vector.shape_cast %broadcast_in_dim3A_4 : vector<16xf32> to vector<16xf32>
      tpu.vector_store %arg8[%swap3A_760], %swap3A_763 {strides = array<i32>} : memref<4096xf32, #tpu.memory_space<vmem>>, vector<16xf32>,
      %swap3A_764 = arith.constant 3040 : index
      %swap3A_765 = tpu.vector_load %arg8[%swap3A_764] {strides = array<i32>} : memref<4096xf32, #tpu.memory_space<vmem>>, vector<16xf32>,
      %swap3A_766 = vector.shape_cast %swap3A_765 : vector<16xf32> to vector<16xf32>
      %swap3A_767 = vector.shape_cast %broadcast_in_dim3A_4 : vector<16xf32> to vector<16xf32>
      tpu.vector_store %arg8[%swap3A_764], %swap3A_767 {strides = array<i32>} : memref<4096xf32, #tpu.memory_space<vmem>>, vector<16xf32>,
      %swap3A_768 = arith.constant 3056 : index
      %swap3A_769 = tpu.vector_load %arg8[%swap3A_768] {strides = array<i32>} : memref<4096xf32, #tpu.memory_space<vmem>>, vector<16xf32>,
      %swap3A_770 = vector.shape_cast %swap3A_769 : vector<16xf32> to vector<16xf32>
      %swap3A_771 = vector.shape_cast %broadcast_in_dim3A_4 : vector<16xf32> to vector<16xf32>
      tpu.vector_store %arg8[%swap3A_768], %swap3A_771 {strides = array<i32>} : memref<4096xf32, #tpu.memory_space<vmem>>, vector<16xf32>,
      %swap3A_772 = arith.constant 3072 : index
      %swap3A_773 = tpu.vector_load %arg8[%swap3A_772] {strides = array<i32>} : memref<4096xf32, #tpu.memory_space<vmem>>, vector<16xf32>,
      %swap3A_774 = vector.shape_cast %swap3A_773 : vector<16xf32> to vector<16xf32>
      %swap3A_775 = vector.shape_cast %broadcast_in_dim3A_4 : vector<16xf32> to vector<16xf32>
      tpu.vector_store %arg8[%swap3A_772], %swap3A_775 {strides = array<i32>} : memref<4096xf32, #tpu.memory_space<vmem>>, vector<16xf32>,
      %swap3A_776 = arith.constant 3088 : index
      %swap3A_777 = tpu.vector_load %arg8[%swap3A_776] {strides = array<i32>} : memref<4096xf32, #tpu.memory_space<vmem>>, vector<16xf32>,
      %swap3A_778 = vector.shape_cast %swap3A_777 : vector<16xf32> to vector<16xf32>
      %swap3A_779 = vector.shape_cast %broadcast_in_dim3A_4 : vector<16xf32> to vector<16xf32>
      tpu.vector_store %arg8[%swap3A_776], %swap3A_779 {strides = array<i32>} : memref<4096xf32, #tpu.memory_space<vmem>>, vector<16xf32>,
      %swap3A_780 = arith.constant 3104 : index
      %swap3A_781 = tpu.vector_load %arg8[%swap3A_780] {strides = array<i32>} : memref<4096xf32, #tpu.memory_space<vmem>>, vector<16xf32>,
      %swap3A_782 = vector.shape_cast %swap3A_781 : vector<16xf32> to vector<16xf32>
      %swap3A_783 = vector.shape_cast %broadcast_in_dim3A_4 : vector<16xf32> to vector<16xf32>
      tpu.vector_store %arg8[%swap3A_780], %swap3A_783 {strides = array<i32>} : memref<4096xf32, #tpu.memory_space<vmem>>, vector<16xf32>,
      %swap3A_784 = arith.constant 3120 : index
      %swap3A_785 = tpu.vector_load %arg8[%swap3A_784] {strides = array<i32>} : memref<4096xf32, #tpu.memory_space<vmem>>, vector<16xf32>,
      %swap3A_786 = vector.shape_cast %swap3A_785 : vector<16xf32> to vector<16xf32>
      %swap3A_787 = vector.shape_cast %broadcast_in_dim3A_4 : vector<16xf32> to vector<16xf32>
      tpu.vector_store %arg8[%swap3A_784], %swap3A_787 {strides = array<i32>} : memref<4096xf32, #tpu.memory_space<vmem>>, vector<16xf32>,
      %swap3A_788 = arith.constant 3136 : index
      %swap3A_789 = tpu.vector_load %arg8[%swap3A_788] {strides = array<i32>} : memref<4096xf32, #tpu.memory_space<vmem>>, vector<16xf32>,
      %swap3A_790 = vector.shape_cast %swap3A_789 : vector<16xf32> to vector<16xf32>
      %swap3A_791 = vector.shape_cast %broadcast_in_dim3A_4 : vector<16xf32> to vector<16xf32>
      tpu.vector_store %arg8[%swap3A_788], %swap3A_791 {strides = array<i32>} : memref<4096xf32, #tpu.memory_space<vmem>>, vector<16xf32>,
      %swap3A_792 = arith.constant 3152 : index
      %swap3A_793 = tpu.vector_load %arg8[%swap3A_792] {strides = array<i32>} : memref<4096xf32, #tpu.memory_space<vmem>>, vector<16xf32>,
      %swap3A_794 = vector.shape_cast %swap3A_793 : vector<16xf32> to vector<16xf32>
      %swap3A_795 = vector.shape_cast %broadcast_in_dim3A_4 : vector<16xf32> to vector<16xf32>
      tpu.vector_store %arg8[%swap3A_792], %swap3A_795 {strides = array<i32>} : memref<4096xf32, #tpu.memory_space<vmem>>, vector<16xf32>,
      %swap3A_796 = arith.constant 3168 : index
      %swap3A_797 = tpu.vector_load %arg8[%swap3A_796] {strides = array<i32>} : memref<4096xf32, #tpu.memory_space<vmem>>, vector<16xf32>,
      %swap3A_798 = vector.shape_cast %swap3A_797 : vector<16xf32> to vector<16xf32>
      %swap3A_799 = vector.shape_cast %broadcast_in_dim3A_4 : vector<16xf32> to vector<16xf32>
      tpu.vector_store %arg8[%swap3A_796], %swap3A_799 {strides = array<i32>} : memref<4096xf32, #tpu.memory_space<vmem>>, vector<16xf32>,
      %swap3A_800 = arith.constant 3184 : index
      %swap3A_801 = tpu.vector_load %arg8[%swap3A_800] {strides = array<i32>} : memref<4096xf32, #tpu.memory_space<vmem>>, vector<16xf32>,
      %swap3A_802 = vector.shape_cast %swap3A_801 : vector<16xf32> to vector<16xf32>
      %swap3A_803 = vector.shape_cast %broadcast_in_dim3A_4 : vector<16xf32> to vector<16xf32>
      tpu.vector_store %arg8[%swap3A_800], %swap3A_803 {strides = array<i32>} : memref<4096xf32, #tpu.memory_space<vmem>>, vector<16xf32>,
      %swap3A_804 = arith.constant 3200 : index
      %swap3A_805 = tpu.vector_load %arg8[%swap3A_804] {strides = array<i32>} : memref<4096xf32, #tpu.memory_space<vmem>>, vector<16xf32>,
      %swap3A_806 = vector.shape_cast %swap3A_805 : vector<16xf32> to vector<16xf32>
      %swap3A_807 = vector.shape_cast %broadcast_in_dim3A_4 : vector<16xf32> to vector<16xf32>
      tpu.vector_store %arg8[%swap3A_804], %swap3A_807 {strides = array<i32>} : memref<4096xf32, #tpu.memory_space<vmem>>, vector<16xf32>,
      %swap3A_808 = arith.constant 3216 : index
      %swap3A_809 = tpu.vector_load %arg8[%swap3A_808] {strides = array<i32>} : memref<4096xf32, #tpu.memory_space<vmem>>, vector<16xf32>,
      %swap3A_810 = vector.shape_cast %swap3A_809 : vector<16xf32> to vector<16xf32>
      %swap3A_811 = vector.shape_cast %broadcast_in_dim3A_4 : vector<16xf32> to vector<16xf32>
      tpu.vector_store %arg8[%swap3A_808], %swap3A_811 {strides = array<i32>} : memref<4096xf32, #tpu.memory_space<vmem>>, vector<16xf32>,
      %swap3A_812 = arith.constant 3232 : index
      %swap3A_813 = tpu.vector_load %arg8[%swap3A_812] {strides = array<i32>} : memref<4096xf32, #tpu.memory_space<vmem>>, vector<16xf32>,
      %swap3A_814 = vector.shape_cast %swap3A_813 : vector<16xf32> to vector<16xf32>
      %swap3A_815 = vector.shape_cast %broadcast_in_dim3A_4 : vector<16xf32> to vector<16xf32>
      tpu.vector_store %arg8[%swap3A_812], %swap3A_815 {strides = array<i32>} : memref<4096xf32, #tpu.memory_space<vmem>>, vector<16xf32>,
      %swap3A_816 = arith.constant 3248 : index
      %swap3A_817 = tpu.vector_load %arg8[%swap3A_816] {strides = array<i32>} : memref<4096xf32, #tpu.memory_space<vmem>>, vector<16xf32>,
      %swap3A_818 = vector.shape_cast %swap3A_817 : vector<16xf32> to vector<16xf32>
      %swap3A_819 = vector.shape_cast %broadcast_in_dim3A_4 : vector<16xf32> to vector<16xf32>
      tpu.vector_store %arg8[%swap3A_816], %swap3A_819 {strides = array<i32>} : memref<4096xf32, #tpu.memory_space<vmem>>, vector<16xf32>,
      %swap3A_820 = arith.constant 3264 : index
      %swap3A_821 = tpu.vector_load %arg8[%swap3A_820] {strides = array<i32>} : memref<4096xf32, #tpu.memory_space<vmem>>, vector<16xf32>,
      %swap3A_822 = vector.shape_cast %swap3A_821 : vector<16xf32> to vector<16xf32>
      %swap3A_823 = vector.shape_cast %broadcast_in_dim3A_4 : vector<16xf32> to vector<16xf32>
      tpu.vector_store %arg8[%swap3A_820], %swap3A_823 {strides = array<i32>} : memref<4096xf32, #tpu.memory_space<vmem>>, vector<16xf32>,
      %swap3A_824 = arith.constant 3280 : index
      %swap3A_825 = tpu.vector_load %arg8[%swap3A_824] {strides = array<i32>} : memref<4096xf32, #tpu.memory_space<vmem>>, vector<16xf32>,
      %swap3A_826 = vector.shape_cast %swap3A_825 : vector<16xf32> to vector<16xf32>
      %swap3A_827 = vector.shape_cast %broadcast_in_dim3A_4 : vector<16xf32> to vector<16xf32>
      tpu.vector_store %arg8[%swap3A_824], %swap3A_827 {strides = array<i32>} : memref<4096xf32, #tpu.memory_space<vmem>>, vector<16xf32>,
      %swap3A_828 = arith.constant 3296 : index
      %swap3A_829 = tpu.vector_load %arg8[%swap3A_828] {strides = array<i32>} : memref<4096xf32, #tpu.memory_space<vmem>>, vector<16xf32>,
      %swap3A_830 = vector.shape_cast %swap3A_829 : vector<16xf32> to vector<16xf32>
      %swap3A_831 = vector.shape_cast %broadcast_in_dim3A_4 : vector<16xf32> to vector<16xf32>
      tpu.vector_store %arg8[%swap3A_828], %swap3A_831 {strides = array<i32>} : memref<4096xf32, #tpu.memory_space<vmem>>, vector<16xf32>,
      %swap3A_832 = arith.constant 3312 : index
      %swap3A_833 = tpu.vector_load %arg8[%swap3A_832] {strides = array<i32>} : memref<4096xf32, #tpu.memory_space<vmem>>, vector<16xf32>,
      %swap3A_834 = vector.shape_cast %swap3A_833 : vector<16xf32> to vector<16xf32>
      %swap3A_835 = vector.shape_cast %broadcast_in_dim3A_4 : vector<16xf32> to vector<16xf32>
      tpu.vector_store %arg8[%swap3A_832], %swap3A_835 {strides = array<i32>} : memref<4096xf32, #tpu.memory_space<vmem>>, vector<16xf32>,
      %swap3A_836 = arith.constant 3328 : index
      %swap3A_837 = tpu.vector_load %arg8[%swap3A_836] {strides = array<i32>} : memref<4096xf32, #tpu.memory_space<vmem>>, vector<16xf32>,
      %swap3A_838 = vector.shape_cast %swap3A_837 : vector<16xf32> to vector<16xf32>
      %swap3A_839 = vector.shape_cast %broadcast_in_dim3A_4 : vector<16xf32> to vector<16xf32>
      tpu.vector_store %arg8[%swap3A_836], %swap3A_839 {strides = array<i32>} : memref<4096xf32, #tpu.memory_space<vmem>>, vector<16xf32>,
      %swap3A_840 = arith.constant 3344 : index
      %swap3A_841 = tpu.vector_load %arg8[%swap3A_840] {strides = array<i32>} : memref<4096xf32, #tpu.memory_space<vmem>>, vector<16xf32>,
      %swap3A_842 = vector.shape_cast %swap3A_841 : vector<16xf32> to vector<16xf32>
      %swap3A_843 = vector.shape_cast %broadcast_in_dim3A_4 : vector<16xf32> to vector<16xf32>
      tpu.vector_store %arg8[%swap3A_840], %swap3A_843 {strides = array<i32>} : memref<4096xf32, #tpu.memory_space<vmem>>, vector<16xf32>,
      %swap3A_844 = arith.constant 3360 : index
      %swap3A_845 = tpu.vector_load %arg8[%swap3A_844] {strides = array<i32>} : memref<4096xf32, #tpu.memory_space<vmem>>, vector<16xf32>,
      %swap3A_846 = vector.shape_cast %swap3A_845 : vector<16xf32> to vector<16xf32>
      %swap3A_847 = vector.shape_cast %broadcast_in_dim3A_4 : vector<16xf32> to vector<16xf32>
      tpu.vector_store %arg8[%swap3A_844], %swap3A_847 {strides = array<i32>} : memref<4096xf32, #tpu.memory_space<vmem>>, vector<16xf32>,
      %swap3A_848 = arith.constant 3376 : index
      %swap3A_849 = tpu.vector_load %arg8[%swap3A_848] {strides = array<i32>} : memref<4096xf32, #tpu.memory_space<vmem>>, vector<16xf32>,
      %swap3A_850 = vector.shape_cast %swap3A_849 : vector<16xf32> to vector<16xf32>
      %swap3A_851 = vector.shape_cast %broadcast_in_dim3A_4 : vector<16xf32> to vector<16xf32>
      tpu.vector_store %arg8[%swap3A_848], %swap3A_851 {strides = array<i32>} : memref<4096xf32, #tpu.memory_space<vmem>>, vector<16xf32>,
      %swap3A_852 = arith.constant 3392 : index
      %swap3A_853 = tpu.vector_load %arg8[%swap3A_852] {strides = array<i32>} : memref<4096xf32, #tpu.memory_space<vmem>>, vector<16xf32>,
      %swap3A_854 = vector.shape_cast %swap3A_853 : vector<16xf32> to vector<16xf32>
      %swap3A_855 = vector.shape_cast %broadcast_in_dim3A_4 : vector<16xf32> to vector<16xf32>
      tpu.vector_store %arg8[%swap3A_852], %swap3A_855 {strides = array<i32>} : memref<4096xf32, #tpu.memory_space<vmem>>, vector<16xf32>,
      %swap3A_856 = arith.constant 3408 : index
      %swap3A_857 = tpu.vector_load %arg8[%swap3A_856] {strides = array<i32>} : memref<4096xf32, #tpu.memory_space<vmem>>, vector<16xf32>,
      %swap3A_858 = vector.shape_cast %swap3A_857 : vector<16xf32> to vector<16xf32>
      %swap3A_859 = vector.shape_cast %broadcast_in_dim3A_4 : vector<16xf32> to vector<16xf32>
      tpu.vector_store %arg8[%swap3A_856], %swap3A_859 {strides = array<i32>} : memref<4096xf32, #tpu.memory_space<vmem>>, vector<16xf32>,
      %swap3A_860 = arith.constant 3424 : index
      %swap3A_861 = tpu.vector_load %arg8[%swap3A_860] {strides = array<i32>} : memref<4096xf32, #tpu.memory_space<vmem>>, vector<16xf32>,
      %swap3A_862 = vector.shape_cast %swap3A_861 : vector<16xf32> to vector<16xf32>
      %swap3A_863 = vector.shape_cast %broadcast_in_dim3A_4 : vector<16xf32> to vector<16xf32>
      tpu.vector_store %arg8[%swap3A_860], %swap3A_863 {strides = array<i32>} : memref<4096xf32, #tpu.memory_space<vmem>>, vector<16xf32>,
      %swap3A_864 = arith.constant 3440 : index
      %swap3A_865 = tpu.vector_load %arg8[%swap3A_864] {strides = array<i32>} : memref<4096xf32, #tpu.memory_space<vmem>>, vector<16xf32>,
      %swap3A_866 = vector.shape_cast %swap3A_865 : vector<16xf32> to vector<16xf32>
      %swap3A_867 = vector.shape_cast %broadcast_in_dim3A_4 : vector<16xf32> to vector<16xf32>
      tpu.vector_store %arg8[%swap3A_864], %swap3A_867 {strides = array<i32>} : memref<4096xf32, #tpu.memory_space<vmem>>, vector<16xf32>,
      %swap3A_868 = arith.constant 3456 : index
      %swap3A_869 = tpu.vector_load %arg8[%swap3A_868] {strides = array<i32>} : memref<4096xf32, #tpu.memory_space<vmem>>, vector<16xf32>,
      %swap3A_870 = vector.shape_cast %swap3A_869 : vector<16xf32> to vector<16xf32>
      %swap3A_871 = vector.shape_cast %broadcast_in_dim3A_4 : vector<16xf32> to vector<16xf32>
      tpu.vector_store %arg8[%swap3A_868], %swap3A_871 {strides = array<i32>} : memref<4096xf32, #tpu.memory_space<vmem>>, vector<16xf32>,
      %swap3A_872 = arith.constant 3472 : index
      %swap3A_873 = tpu.vector_load %arg8[%swap3A_872] {strides = array<i32>} : memref<4096xf32, #tpu.memory_space<vmem>>, vector<16xf32>,
      %swap3A_874 = vector.shape_cast %swap3A_873 : vector<16xf32> to vector<16xf32>
      %swap3A_875 = vector.shape_cast %broadcast_in_dim3A_4 : vector<16xf32> to vector<16xf32>
      tpu.vector_store %arg8[%swap3A_872], %swap3A_875 {strides = array<i32>} : memref<4096xf32, #tpu.memory_space<vmem>>, vector<16xf32>,
      %swap3A_876 = arith.constant 3488 : index
      %swap3A_877 = tpu.vector_load %arg8[%swap3A_876] {strides = array<i32>} : memref<4096xf32, #tpu.memory_space<vmem>>, vector<16xf32>,
      %swap3A_878 = vector.shape_cast %swap3A_877 : vector<16xf32> to vector<16xf32>
      %swap3A_879 = vector.shape_cast %broadcast_in_dim3A_4 : vector<16xf32> to vector<16xf32>
      tpu.vector_store %arg8[%swap3A_876], %swap3A_879 {strides = array<i32>} : memref<4096xf32, #tpu.memory_space<vmem>>, vector<16xf32>,
      %swap3A_880 = arith.constant 3504 : index
      %swap3A_881 = tpu.vector_load %arg8[%swap3A_880] {strides = array<i32>} : memref<4096xf32, #tpu.memory_space<vmem>>, vector<16xf32>,
      %swap3A_882 = vector.shape_cast %swap3A_881 : vector<16xf32> to vector<16xf32>
      %swap3A_883 = vector.shape_cast %broadcast_in_dim3A_4 : vector<16xf32> to vector<16xf32>
      tpu.vector_store %arg8[%swap3A_880], %swap3A_883 {strides = array<i32>} : memref<4096xf32, #tpu.memory_space<vmem>>, vector<16xf32>,
      %swap3A_884 = arith.constant 3520 : index
      %swap3A_885 = tpu.vector_load %arg8[%swap3A_884] {strides = array<i32>} : memref<4096xf32, #tpu.memory_space<vmem>>, vector<16xf32>,
      %swap3A_886 = vector.shape_cast %swap3A_885 : vector<16xf32> to vector<16xf32>
      %swap3A_887 = vector.shape_cast %broadcast_in_dim3A_4 : vector<16xf32> to vector<16xf32>
      tpu.vector_store %arg8[%swap3A_884], %swap3A_887 {strides = array<i32>} : memref<4096xf32, #tpu.memory_space<vmem>>, vector<16xf32>,
      %swap3A_888 = arith.constant 3536 : index
      %swap3A_889 = tpu.vector_load %arg8[%swap3A_888] {strides = array<i32>} : memref<4096xf32, #tpu.memory_space<vmem>>, vector<16xf32>,
      %swap3A_890 = vector.shape_cast %swap3A_889 : vector<16xf32> to vector<16xf32>
      %swap3A_891 = vector.shape_cast %broadcast_in_dim3A_4 : vector<16xf32> to vector<16xf32>
      tpu.vector_store %arg8[%swap3A_888], %swap3A_891 {strides = array<i32>} : memref<4096xf32, #tpu.memory_space<vmem>>, vector<16xf32>,
      %swap3A_892 = arith.constant 3552 : index
      %swap3A_893 = tpu.vector_load %arg8[%swap3A_892] {strides = array<i32>} : memref<4096xf32, #tpu.memory_space<vmem>>, vector<16xf32>,
      %swap3A_894 = vector.shape_cast %swap3A_893 : vector<16xf32> to vector<16xf32>
      %swap3A_895 = vector.shape_cast %broadcast_in_dim3A_4 : vector<16xf32> to vector<16xf32>
      tpu.vector_store %arg8[%swap3A_892], %swap3A_895 {strides = array<i32>} : memref<4096xf32, #tpu.memory_space<vmem>>, vector<16xf32>,
      %swap3A_896 = arith.constant 3568 : index
      %swap3A_897 = tpu.vector_load %arg8[%swap3A_896] {strides = array<i32>} : memref<4096xf32, #tpu.memory_space<vmem>>, vector<16xf32>,
      %swap3A_898 = vector.shape_cast %swap3A_897 : vector<16xf32> to vector<16xf32>
      %swap3A_899 = vector.shape_cast %broadcast_in_dim3A_4 : vector<16xf32> to vector<16xf32>
      tpu.vector_store %arg8[%swap3A_896], %swap3A_899 {strides = array<i32>} : memref<4096xf32, #tpu.memory_space<vmem>>, vector<16xf32>,
      %swap3A_900 = arith.constant 3584 : index
      %swap3A_901 = tpu.vector_load %arg8[%swap3A_900] {strides = array<i32>} : memref<4096xf32, #tpu.memory_space<vmem>>, vector<16xf32>,
      %swap3A_902 = vector.shape_cast %swap3A_901 : vector<16xf32> to vector<16xf32>
      %swap3A_903 = vector.shape_cast %broadcast_in_dim3A_4 : vector<16xf32> to vector<16xf32>
      tpu.vector_store %arg8[%swap3A_900], %swap3A_903 {strides = array<i32>} : memref<4096xf32, #tpu.memory_space<vmem>>, vector<16xf32>,
      %swap3A_904 = arith.constant 3600 : index
      %swap3A_905 = tpu.vector_load %arg8[%swap3A_904] {strides = array<i32>} : memref<4096xf32, #tpu.memory_space<vmem>>, vector<16xf32>,
      %swap3A_906 = vector.shape_cast %swap3A_905 : vector<16xf32> to vector<16xf32>
      %swap3A_907 = vector.shape_cast %broadcast_in_dim3A_4 : vector<16xf32> to vector<16xf32>
      tpu.vector_store %arg8[%swap3A_904], %swap3A_907 {strides = array<i32>} : memref<4096xf32, #tpu.memory_space<vmem>>, vector<16xf32>,
      %swap3A_908 = arith.constant 3616 : index
      %swap3A_909 = tpu.vector_load %arg8[%swap3A_908] {strides = array<i32>} : memref<4096xf32, #tpu.memory_space<vmem>>, vector<16xf32>,
      %swap3A_910 = vector.shape_cast %swap3A_909 : vector<16xf32> to vector<16xf32>
      %swap3A_911 = vector.shape_cast %broadcast_in_dim3A_4 : vector<16xf32> to vector<16xf32>
      tpu.vector_store %arg8[%swap3A_908], %swap3A_911 {strides = array<i32>} : memref<4096xf32, #tpu.memory_space<vmem>>, vector<16xf32>,
      %swap3A_912 = arith.constant 3632 : index
      %swap3A_913 = tpu.vector_load %arg8[%swap3A_912] {strides = array<i32>} : memref<4096xf32, #tpu.memory_space<vmem>>, vector<16xf32>,
      %swap3A_914 = vector.shape_cast %swap3A_913 : vector<16xf32> to vector<16xf32>
      %swap3A_915 = vector.shape_cast %broadcast_in_dim3A_4 : vector<16xf32> to vector<16xf32>
      tpu.vector_store %arg8[%swap3A_912], %swap3A_915 {strides = array<i32>} : memref<4096xf32, #tpu.memory_space<vmem>>, vector<16xf32>,
      %swap3A_916 = arith.constant 3648 : index
      %swap3A_917 = tpu.vector_load %arg8[%swap3A_916] {strides = array<i32>} : memref<4096xf32, #tpu.memory_space<vmem>>, vector<16xf32>,
      %swap3A_918 = vector.shape_cast %swap3A_917 : vector<16xf32> to vector<16xf32>
      %swap3A_919 = vector.shape_cast %broadcast_in_dim3A_4 : vector<16xf32> to vector<16xf32>
      tpu.vector_store %arg8[%swap3A_916], %swap3A_919 {strides = array<i32>} : memref<4096xf32, #tpu.memory_space<vmem>>, vector<16xf32>,
      %swap3A_920 = arith.constant 3664 : index
      %swap3A_921 = tpu.vector_load %arg8[%swap3A_920] {strides = array<i32>} : memref<4096xf32, #tpu.memory_space<vmem>>, vector<16xf32>,
      %swap3A_922 = vector.shape_cast %swap3A_921 : vector<16xf32> to vector<16xf32>
      %swap3A_923 = vector.shape_cast %broadcast_in_dim3A_4 : vector<16xf32> to vector<16xf32>
      tpu.vector_store %arg8[%swap3A_920], %swap3A_923 {strides = array<i32>} : memref<4096xf32, #tpu.memory_space<vmem>>, vector<16xf32>,
      %swap3A_924 = arith.constant 3680 : index
      %swap3A_925 = tpu.vector_load %arg8[%swap3A_924] {strides = array<i32>} : memref<4096xf32, #tpu.memory_space<vmem>>, vector<16xf32>,
      %swap3A_926 = vector.shape_cast %swap3A_925 : vector<16xf32> to vector<16xf32>
      %swap3A_927 = vector.shape_cast %broadcast_in_dim3A_4 : vector<16xf32> to vector<16xf32>
      tpu.vector_store %arg8[%swap3A_924], %swap3A_927 {strides = array<i32>} : memref<4096xf32, #tpu.memory_space<vmem>>, vector<16xf32>,
      %swap3A_928 = arith.constant 3696 : index
      %swap3A_929 = tpu.vector_load %arg8[%swap3A_928] {strides = array<i32>} : memref<4096xf32, #tpu.memory_space<vmem>>, vector<16xf32>,
      %swap3A_930 = vector.shape_cast %swap3A_929 : vector<16xf32> to vector<16xf32>
      %swap3A_931 = vector.shape_cast %broadcast_in_dim3A_4 : vector<16xf32> to vector<16xf32>
      tpu.vector_store %arg8[%swap3A_928], %swap3A_931 {strides = array<i32>} : memref<4096xf32, #tpu.memory_space<vmem>>, vector<16xf32>,
      %swap3A_932 = arith.constant 3712 : index
      %swap3A_933 = tpu.vector_load %arg8[%swap3A_932] {strides = array<i32>} : memref<4096xf32, #tpu.memory_space<vmem>>, vector<16xf32>,
      %swap3A_934 = vector.shape_cast %swap3A_933 : vector<16xf32> to vector<16xf32>
      %swap3A_935 = vector.shape_cast %broadcast_in_dim3A_4 : vector<16xf32> to vector<16xf32>
      tpu.vector_store %arg8[%swap3A_932], %swap3A_935 {strides = array<i32>} : memref<4096xf32, #tpu.memory_space<vmem>>, vector<16xf32>,
      %swap3A_936 = arith.constant 3728 : index
      %swap3A_937 = tpu.vector_load %arg8[%swap3A_936] {strides = array<i32>} : memref<4096xf32, #tpu.memory_space<vmem>>, vector<16xf32>,
      %swap3A_938 = vector.shape_cast %swap3A_937 : vector<16xf32> to vector<16xf32>
      %swap3A_939 = vector.shape_cast %broadcast_in_dim3A_4 : vector<16xf32> to vector<16xf32>
      tpu.vector_store %arg8[%swap3A_936], %swap3A_939 {strides = array<i32>} : memref<4096xf32, #tpu.memory_space<vmem>>, vector<16xf32>,
      %swap3A_940 = arith.constant 3744 : index
      %swap3A_941 = tpu.vector_load %arg8[%swap3A_940] {strides = array<i32>} : memref<4096xf32, #tpu.memory_space<vmem>>, vector<16xf32>,
      %swap3A_942 = vector.shape_cast %swap3A_941 : vector<16xf32> to vector<16xf32>
      %swap3A_943 = vector.shape_cast %broadcast_in_dim3A_4 : vector<16xf32> to vector<16xf32>
      tpu.vector_store %arg8[%swap3A_940], %swap3A_943 {strides = array<i32>} : memref<4096xf32, #tpu.memory_space<vmem>>, vector<16xf32>,
      %swap3A_944 = arith.constant 3760 : index
      %swap3A_945 = tpu.vector_load %arg8[%swap3A_944] {strides = array<i32>} : memref<4096xf32, #tpu.memory_space<vmem>>, vector<16xf32>,
      %swap3A_946 = vector.shape_cast %swap3A_945 : vector<16xf32> to vector<16xf32>
      %swap3A_947 = vector.shape_cast %broadcast_in_dim3A_4 : vector<16xf32> to vector<16xf32>
      tpu.vector_store %arg8[%swap3A_944], %swap3A_947 {strides = array<i32>} : memref<4096xf32, #tpu.memory_space<vmem>>, vector<16xf32>,
      %swap3A_948 = arith.constant 3776 : index
      %swap3A_949 = tpu.vector_load %arg8[%swap3A_948] {strides = array<i32>} : memref<4096xf32, #tpu.memory_space<vmem>>, vector<16xf32>,
      %swap3A_950 = vector.shape_cast %swap3A_949 : vector<16xf32> to vector<16xf32>
      %swap3A_951 = vector.shape_cast %broadcast_in_dim3A_4 : vector<16xf32> to vector<16xf32>
      tpu.vector_store %arg8[%swap3A_948], %swap3A_951 {strides = array<i32>} : memref<4096xf32, #tpu.memory_space<vmem>>, vector<16xf32>,
      %swap3A_952 = arith.constant 3792 : index
      %swap3A_953 = tpu.vector_load %arg8[%swap3A_952] {strides = array<i32>} : memref<4096xf32, #tpu.memory_space<vmem>>, vector<16xf32>,
      %swap3A_954 = vector.shape_cast %swap3A_953 : vector<16xf32> to vector<16xf32>
      %swap3A_955 = vector.shape_cast %broadcast_in_dim3A_4 : vector<16xf32> to vector<16xf32>
      tpu.vector_store %arg8[%swap3A_952], %swap3A_955 {strides = array<i32>} : memref<4096xf32, #tpu.memory_space<vmem>>, vector<16xf32>,
      %swap3A_956 = arith.constant 3808 : index
      %swap3A_957 = tpu.vector_load %arg8[%swap3A_956] {strides = array<i32>} : memref<4096xf32, #tpu.memory_space<vmem>>, vector<16xf32>,
      %swap3A_958 = vector.shape_cast %swap3A_957 : vector<16xf32> to vector<16xf32>
      %swap3A_959 = vector.shape_cast %broadcast_in_dim3A_4 : vector<16xf32> to vector<16xf32>
      tpu.vector_store %arg8[%swap3A_956], %swap3A_959 {strides = array<i32>} : memref<4096xf32, #tpu.memory_space<vmem>>, vector<16xf32>,
      %swap3A_960 = arith.constant 3824 : index
      %swap3A_961 = tpu.vector_load %arg8[%swap3A_960] {strides = array<i32>} : memref<4096xf32, #tpu.memory_space<vmem>>, vector<16xf32>,
      %swap3A_962 = vector.shape_cast %swap3A_961 : vector<16xf32> to vector<16xf32>
      %swap3A_963 = vector.shape_cast %broadcast_in_dim3A_4 : vector<16xf32> to vector<16xf32>
      tpu.vector_store %arg8[%swap3A_960], %swap3A_963 {strides = array<i32>} : memref<4096xf32, #tpu.memory_space<vmem>>, vector<16xf32>,
      %swap3A_964 = arith.constant 3840 : index
      %swap3A_965 = tpu.vector_load %arg8[%swap3A_964] {strides = array<i32>} : memref<4096xf32, #tpu.memory_space<vmem>>, vector<16xf32>,
      %swap3A_966 = vector.shape_cast %swap3A_965 : vector<16xf32> to vector<16xf32>
      %swap3A_967 = vector.shape_cast %broadcast_in_dim3A_4 : vector<16xf32> to vector<16xf32>
      tpu.vector_store %arg8[%swap3A_964], %swap3A_967 {strides = array<i32>} : memref<4096xf32, #tpu.memory_space<vmem>>, vector<16xf32>,
      %swap3A_968 = arith.constant 3856 : index
      %swap3A_969 = tpu.vector_load %arg8[%swap3A_968] {strides = array<i32>} : memref<4096xf32, #tpu.memory_space<vmem>>, vector<16xf32>,
      %swap3A_970 = vector.shape_cast %swap3A_969 : vector<16xf32> to vector<16xf32>
      %swap3A_971 = vector.shape_cast %broadcast_in_dim3A_4 : vector<16xf32> to vector<16xf32>
      tpu.vector_store %arg8[%swap3A_968], %swap3A_971 {strides = array<i32>} : memref<4096xf32, #tpu.memory_space<vmem>>, vector<16xf32>,
      %swap3A_972 = arith.constant 3872 : index
      %swap3A_973 = tpu.vector_load %arg8[%swap3A_972] {strides = array<i32>} : memref<4096xf32, #tpu.memory_space<vmem>>, vector<16xf32>,
      %swap3A_974 = vector.shape_cast %swap3A_973 : vector<16xf32> to vector<16xf32>
      %swap3A_975 = vector.shape_cast %broadcast_in_dim3A_4 : vector<16xf32> to vector<16xf32>
      tpu.vector_store %arg8[%swap3A_972], %swap3A_975 {strides = array<i32>} : memref<4096xf32, #tpu.memory_space<vmem>>, vector<16xf32>,
      %swap3A_976 = arith.constant 3888 : index
      %swap3A_977 = tpu.vector_load %arg8[%swap3A_976] {strides = array<i32>} : memref<4096xf32, #tpu.memory_space<vmem>>, vector<16xf32>,
      %swap3A_978 = vector.shape_cast %swap3A_977 : vector<16xf32> to vector<16xf32>
      %swap3A_979 = vector.shape_cast %broadcast_in_dim3A_4 : vector<16xf32> to vector<16xf32>
      tpu.vector_store %arg8[%swap3A_976], %swap3A_979 {strides = array<i32>} : memref<4096xf32, #tpu.memory_space<vmem>>, vector<16xf32>,
      %swap3A_980 = arith.constant 3904 : index
      %swap3A_981 = tpu.vector_load %arg8[%swap3A_980] {strides = array<i32>} : memref<4096xf32, #tpu.memory_space<vmem>>, vector<16xf32>,
      %swap3A_982 = vector.shape_cast %swap3A_981 : vector<16xf32> to vector<16xf32>
      %swap3A_983 = vector.shape_cast %broadcast_in_dim3A_4 : vector<16xf32> to vector<16xf32>
      tpu.vector_store %arg8[%swap3A_980], %swap3A_983 {strides = array<i32>} : memref<4096xf32, #tpu.memory_space<vmem>>, vector<16xf32>,
      %swap3A_984 = arith.constant 3920 : index
      %swap3A_985 = tpu.vector_load %arg8[%swap3A_984] {strides = array<i32>} : memref<4096xf32, #tpu.memory_space<vmem>>, vector<16xf32>,
      %swap3A_986 = vector.shape_cast %swap3A_985 : vector<16xf32> to vector<16xf32>
      %swap3A_987 = vector.shape_cast %broadcast_in_dim3A_4 : vector<16xf32> to vector<16xf32>
      tpu.vector_store %arg8[%swap3A_984], %swap3A_987 {strides = array<i32>} : memref<4096xf32, #tpu.memory_space<vmem>>, vector<16xf32>,
      %swap3A_988 = arith.constant 3936 : index
      %swap3A_989 = tpu.vector_load %arg8[%swap3A_988] {strides = array<i32>} : memref<4096xf32, #tpu.memory_space<vmem>>, vector<16xf32>,
      %swap3A_990 = vector.shape_cast %swap3A_989 : vector<16xf32> to vector<16xf32>
      %swap3A_991 = vector.shape_cast %broadcast_in_dim3A_4 : vector<16xf32> to vector<16xf32>
      tpu.vector_store %arg8[%swap3A_988], %swap3A_991 {strides = array<i32>} : memref<4096xf32, #tpu.memory_space<vmem>>, vector<16xf32>,
      %swap3A_992 = arith.constant 3952 : index
      %swap3A_993 = tpu.vector_load %arg8[%swap3A_992] {strides = array<i32>} : memref<4096xf32, #tpu.memory_space<vmem>>, vector<16xf32>,
      %swap3A_994 = vector.shape_cast %swap3A_993 : vector<16xf32> to vector<16xf32>
      %swap3A_995 = vector.shape_cast %broadcast_in_dim3A_4 : vector<16xf32> to vector<16xf32>
      tpu.vector_store %arg8[%swap3A_992], %swap3A_995 {strides = array<i32>} : memref<4096xf32, #tpu.memory_space<vmem>>, vector<16xf32>,
      %swap3A_996 = arith.constant 3968 : index
      %swap3A_997 = tpu.vector_load %arg8[%swap3A_996] {strides = array<i32>} : memref<4096xf32, #tpu.memory_space<vmem>>, vector<16xf32>,
      %swap3A_998 = vector.shape_cast %swap3A_997 : vector<16xf32> to vector<16xf32>
      %swap3A_999 = vector.shape_cast %broadcast_in_dim3A_4 : vector<16xf32> to vector<16xf32>
      tpu.vector_store %arg8[%swap3A_996], %swap3A_999 {strides = array<i32>} : memref<4096xf32, #tpu.memory_space<vmem>>, vector<16xf32>,
      %swap3A_1000 = arith.constant 3984 : index
      %swap3A_1001 = tpu.vector_load %arg8[%swap3A_1000] {strides = array<i32>} : memref<4096xf32, #tpu.memory_space<vmem>>, vector<16xf32>,
      %swap3A_1002 = vector.shape_cast %swap3A_1001 : vector<16xf32> to vector<16xf32>
      %swap3A_1003 = vector.shape_cast %broadcast_in_dim3A_4 : vector<16xf32> to vector<16xf32>
      tpu.vector_store %arg8[%swap3A_1000], %swap3A_1003 {strides = array<i32>} : memref<4096xf32, #tpu.memory_space<vmem>>, vector<16xf32>,
      %swap3A_1004 = arith.constant 4000 : index
      %swap3A_1005 = tpu.vector_load %arg8[%swap3A_1004] {strides = array<i32>} : memref<4096xf32, #tpu.memory_space<vmem>>, vector<16xf32>,
      %swap3A_1006 = vector.shape_cast %swap3A_1005 : vector<16xf32> to vector<16xf32>
      %swap3A_1007 = vector.shape_cast %broadcast_in_dim3A_4 : vector<16xf32> to vector<16xf32>
      tpu.vector_store %arg8[%swap3A_1004], %swap3A_1007 {strides = array<i32>} : memref<4096xf32, #tpu.memory_space<vmem>>, vector<16xf32>,
      %swap3A_1008 = arith.constant 4016 : index
      %swap3A_1009 = tpu.vector_load %arg8[%swap3A_1008] {strides = array<i32>} : memref<4096xf32, #tpu.memory_space<vmem>>, vector<16xf32>,
      %swap3A_1010 = vector.shape_cast %swap3A_1009 : vector<16xf32> to vector<16xf32>
      %swap3A_1011 = vector.shape_cast %broadcast_in_dim3A_4 : vector<16xf32> to vector<16xf32>
      tpu.vector_store %arg8[%swap3A_1008], %swap3A_1011 {strides = array<i32>} : memref<4096xf32, #tpu.memory_space<vmem>>, vector<16xf32>,
      %swap3A_1012 = arith.constant 4032 : index
      %swap3A_1013 = tpu.vector_load %arg8[%swap3A_1012] {strides = array<i32>} : memref<4096xf32, #tpu.memory_space<vmem>>, vector<16xf32>,
      %swap3A_1014 = vector.shape_cast %swap3A_1013 : vector<16xf32> to vector<16xf32>
      %swap3A_1015 = vector.shape_cast %broadcast_in_dim3A_4 : vector<16xf32> to vector<16xf32>
      tpu.vector_store %arg8[%swap3A_1012], %swap3A_1015 {strides = array<i32>} : memref<4096xf32, #tpu.memory_space<vmem>>, vector<16xf32>,
      %swap3A_1016 = arith.constant 4048 : index
      %swap3A_1017 = tpu.vector_load %arg8[%swap3A_1016] {strides = array<i32>} : memref<4096xf32, #tpu.memory_space<vmem>>, vector<16xf32>,
      %swap3A_1018 = vector.shape_cast %swap3A_1017 : vector<16xf32> to vector<16xf32>
      %swap3A_1019 = vector.shape_cast %broadcast_in_dim3A_4 : vector<16xf32> to vector<16xf32>
      tpu.vector_store %arg8[%swap3A_1016], %swap3A_1019 {strides = array<i32>} : memref<4096xf32, #tpu.memory_space<vmem>>, vector<16xf32>,
      %swap3A_1020 = arith.constant 4064 : index
      %swap3A_1021 = tpu.vector_load %arg8[%swap3A_1020] {strides = array<i32>} : memref<4096xf32, #tpu.memory_space<vmem>>, vector<16xf32>,
      %swap3A_1022 = vector.shape_cast %swap3A_1021 : vector<16xf32> to vector<16xf32>
      %swap3A_1023 = vector.shape_cast %broadcast_in_dim3A_4 : vector<16xf32> to vector<16xf32>
      tpu.vector_store %arg8[%swap3A_1020], %swap3A_1023 {strides = array<i32>} : memref<4096xf32, #tpu.memory_space<vmem>>, vector<16xf32>,
      %swap3A_1024 = arith.constant 4080 : index
      %swap3A_1025 = tpu.vector_load %arg8[%swap3A_1024] {strides = array<i32>} : memref<4096xf32, #tpu.memory_space<vmem>>, vector<16xf32>,
      %swap3A_1026 = vector.shape_cast %swap3A_1025 : vector<16xf32> to vector<16xf32>
      %swap3A_1027 = vector.shape_cast %broadcast_in_dim3A_4 : vector<16xf32> to vector<16xf32>
      tpu.vector_store %arg8[%swap3A_1024], %swap3A_1027 {strides = array<i32>} : memref<4096xf32, #tpu.memory_space<vmem>>, vector<16xf32>,
      %iota3A = tpu.iota {dimensions = array<i32: 0>} : vector<16xi32>
      %add3A = arith.constant 0 : i32
      %add3A_1028 = vector.broadcast %add3A : i32 to vector<16xi32>
      %add3A_1029 = arith.addi %iota3A, %add3A_1028 : vector<16xi32>
      %get3A = arith.constant 0 : index
      %get3A_1030 = tpu.vector_load %arg5[%get3A] {strides = array<i32>} : memref<512xi32, #tpu.memory_space<vmem>>, vector<16xi32>,
      %get3A_1031 = vector.shape_cast %get3A_1030 : vector<16xi32> to vector<16xi32>
      %mul3A = arith.constant 64 : i32
      %mul3A_1032 = vector.broadcast %mul3A : i32 to vector<16xi32>
      %mul3A_1033 = arith.muli %get3A_1031, %mul3A_1032 : vector<16xi32>
      %add3A_1034 = arith.addi %mul3A_1033, %add3A_1029 : vector<16xi32>
      %swap3A_1035 = arith.constant 0 : index
      %swap3A_1036 = tpu.vector_load %arg7[%swap3A_1035] {strides = array<i32>} : memref<512xi32, #tpu.memory_space<vmem>>, vector<16xi32>,
      %swap3A_1037 = vector.shape_cast %swap3A_1036 : vector<16xi32> to vector<16xi32>
      %swap3A_1038 = vector.shape_cast %add3A_1034 : vector<16xi32> to vector<16xi32>
      tpu.vector_store %arg7[%swap3A_1035], %swap3A_1038 {strides = array<i32>} : memref<512xi32, #tpu.memory_space<vmem>>, vector<16xi32>,
      %add3A_1039 = arith.constant 16 : i32
      %add3A_1040 = vector.broadcast %add3A_1039 : i32 to vector<16xi32>
      %add3A_1041 = arith.addi %iota3A, %add3A_1040 : vector<16xi32>
      %get3A_1042 = arith.constant 16 : index
      %get3A_1043 = tpu.vector_load %arg5[%get3A_1042] {strides = array<i32>} : memref<512xi32, #tpu.memory_space<vmem>>, vector<16xi32>,
      %get3A_1044 = vector.shape_cast %get3A_1043 : vector<16xi32> to vector<16xi32>
      %mul3A_1045 = arith.constant 64 : i32
      %mul3A_1046 = vector.broadcast %mul3A_1045 : i32 to vector<16xi32>
      %mul3A_1047 = arith.muli %get3A_1044, %mul3A_1046 : vector<16xi32>
      %add3A_1048 = arith.addi %mul3A_1047, %add3A_1041 : vector<16xi32>
      %swap3A_1049 = arith.constant 16 : index
      %swap3A_1050 = tpu.vector_load %arg7[%swap3A_1049] {strides = array<i32>} : memref<512xi32, #tpu.memory_space<vmem>>, vector<16xi32>,
      %swap3A_1051 = vector.shape_cast %swap3A_1050 : vector<16xi32> to vector<16xi32>
      %swap3A_1052 = vector.shape_cast %add3A_1048 : vector<16xi32> to vector<16xi32>
      tpu.vector_store %arg7[%swap3A_1049], %swap3A_1052 {strides = array<i32>} : memref<512xi32, #tpu.memory_space<vmem>>, vector<16xi32>,
      %add3A_1053 = arith.constant 32 : i32
      %add3A_1054 = vector.broadcast %add3A_1053 : i32 to vector<16xi32>
      %add3A_1055 = arith.addi %iota3A, %add3A_1054 : vector<16xi32>
      %get3A_1056 = arith.constant 32 : index
      %get3A_1057 = tpu.vector_load %arg5[%get3A_1056] {strides = array<i32>} : memref<512xi32, #tpu.memory_space<vmem>>, vector<16xi32>,
      %get3A_1058 = vector.shape_cast %get3A_1057 : vector<16xi32> to vector<16xi32>
      %mul3A_1059 = arith.constant 64 : i32
      %mul3A_1060 = vector.broadcast %mul3A_1059 : i32 to vector<16xi32>
      %mul3A_1061 = arith.muli %get3A_1058, %mul3A_1060 : vector<16xi32>
      %add3A_1062 = arith.addi %mul3A_1061, %add3A_1055 : vector<16xi32>
      %swap3A_1063 = arith.constant 32 : index
      %swap3A_1064 = tpu.vector_load %arg7[%swap3A_1063] {strides = array<i32>} : memref<512xi32, #tpu.memory_space<vmem>>, vector<16xi32>,
      %swap3A_1065 = vector.shape_cast %swap3A_1064 : vector<16xi32> to vector<16xi32>
      %swap3A_1066 = vector.shape_cast %add3A_1062 : vector<16xi32> to vector<16xi32>
      tpu.vector_store %arg7[%swap3A_1063], %swap3A_1066 {strides = array<i32>} : memref<512xi32, #tpu.memory_space<vmem>>, vector<16xi32>,
      %add3A_1067 = arith.constant 48 : i32
      %add3A_1068 = vector.broadcast %add3A_1067 : i32 to vector<16xi32>
      %add3A_1069 = arith.addi %iota3A, %add3A_1068 : vector<16xi32>
      %get3A_1070 = arith.constant 48 : index
      %get3A_1071 = tpu.vector_load %arg5[%get3A_1070] {strides = array<i32>} : memref<512xi32, #tpu.memory_space<vmem>>, vector<16xi32>,
      %get3A_1072 = vector.shape_cast %get3A_1071 : vector<16xi32> to vector<16xi32>
      %mul3A_1073 = arith.constant 64 : i32
      %mul3A_1074 = vector.broadcast %mul3A_1073 : i32 to vector<16xi32>
      %mul3A_1075 = arith.muli %get3A_1072, %mul3A_1074 : vector<16xi32>
      %add3A_1076 = arith.addi %mul3A_1075, %add3A_1069 : vector<16xi32>
      %swap3A_1077 = arith.constant 48 : index
      %swap3A_1078 = tpu.vector_load %arg7[%swap3A_1077] {strides = array<i32>} : memref<512xi32, #tpu.memory_space<vmem>>, vector<16xi32>,
      %swap3A_1079 = vector.shape_cast %swap3A_1078 : vector<16xi32> to vector<16xi32>
      %swap3A_1080 = vector.shape_cast %add3A_1076 : vector<16xi32> to vector<16xi32>
      tpu.vector_store %arg7[%swap3A_1077], %swap3A_1080 {strides = array<i32>} : memref<512xi32, #tpu.memory_space<vmem>>, vector<16xi32>,
      %add3A_1081 = arith.constant 0 : i32
      %add3A_1082 = vector.broadcast %add3A_1081 : i32 to vector<16xi32>
      %add3A_1083 = arith.addi %iota3A, %add3A_1082 : vector<16xi32>
      %get3A_1084 = arith.constant 64 : index
      %get3A_1085 = tpu.vector_load %arg5[%get3A_1084] {strides = array<i32>} : memref<512xi32, #tpu.memory_space<vmem>>, vector<16xi32>,
      %get3A_1086 = vector.shape_cast %get3A_1085 : vector<16xi32> to vector<16xi32>
      %mul3A_1087 = arith.constant 64 : i32
      %mul3A_1088 = vector.broadcast %mul3A_1087 : i32 to vector<16xi32>
      %mul3A_1089 = arith.muli %get3A_1086, %mul3A_1088 : vector<16xi32>
      %add3A_1090 = arith.addi %mul3A_1089, %add3A_1083 : vector<16xi32>
      %swap3A_1091 = arith.constant 64 : index
      %swap3A_1092 = tpu.vector_load %arg7[%swap3A_1091] {strides = array<i32>} : memref<512xi32, #tpu.memory_space<vmem>>, vector<16xi32>,
      %swap3A_1093 = vector.shape_cast %swap3A_1092 : vector<16xi32> to vector<16xi32>
      %swap3A_1094 = vector.shape_cast %add3A_1090 : vector<16xi32> to vector<16xi32>
      tpu.vector_store %arg7[%swap3A_1091], %swap3A_1094 {strides = array<i32>} : memref<512xi32, #tpu.memory_space<vmem>>, vector<16xi32>,
      %add3A_1095 = arith.constant 16 : i32
      %add3A_1096 = vector.broadcast %add3A_1095 : i32 to vector<16xi32>
      %add3A_1097 = arith.addi %iota3A, %add3A_1096 : vector<16xi32>
      %get3A_1098 = arith.constant 80 : index
      %get3A_1099 = tpu.vector_load %arg5[%get3A_1098] {strides = array<i32>} : memref<512xi32, #tpu.memory_space<vmem>>, vector<16xi32>,
      %get3A_1100 = vector.shape_cast %get3A_1099 : vector<16xi32> to vector<16xi32>
      %mul3A_1101 = arith.constant 64 : i32
      %mul3A_1102 = vector.broadcast %mul3A_1101 : i32 to vector<16xi32>
      %mul3A_1103 = arith.muli %get3A_1100, %mul3A_1102 : vector<16xi32>
      %add3A_1104 = arith.addi %mul3A_1103, %add3A_1097 : vector<16xi32>
      %swap3A_1105 = arith.constant 80 : index
      %swap3A_1106 = tpu.vector_load %arg7[%swap3A_1105] {strides = array<i32>} : memref<512xi32, #tpu.memory_space<vmem>>, vector<16xi32>,
      %swap3A_1107 = vector.shape_cast %swap3A_1106 : vector<16xi32> to vector<16xi32>
      %swap3A_1108 = vector.shape_cast %add3A_1104 : vector<16xi32> to vector<16xi32>
      tpu.vector_store %arg7[%swap3A_1105], %swap3A_1108 {strides = array<i32>} : memref<512xi32, #tpu.memory_space<vmem>>, vector<16xi32>,
      %add3A_1109 = arith.constant 32 : i32
      %add3A_1110 = vector.broadcast %add3A_1109 : i32 to vector<16xi32>
      %add3A_1111 = arith.addi %iota3A, %add3A_1110 : vector<16xi32>
      %get3A_1112 = arith.constant 96 : index
      %get3A_1113 = tpu.vector_load %arg5[%get3A_1112] {strides = array<i32>} : memref<512xi32, #tpu.memory_space<vmem>>, vector<16xi32>,
      %get3A_1114 = vector.shape_cast %get3A_1113 : vector<16xi32> to vector<16xi32>
      %mul3A_1115 = arith.constant 64 : i32
      %mul3A_1116 = vector.broadcast %mul3A_1115 : i32 to vector<16xi32>
      %mul3A_1117 = arith.muli %get3A_1114, %mul3A_1116 : vector<16xi32>
      %add3A_1118 = arith.addi %mul3A_1117, %add3A_1111 : vector<16xi32>
      %swap3A_1119 = arith.constant 96 : index
      %swap3A_1120 = tpu.vector_load %arg7[%swap3A_1119] {strides = array<i32>} : memref<512xi32, #tpu.memory_space<vmem>>, vector<16xi32>,
      %swap3A_1121 = vector.shape_cast %swap3A_1120 : vector<16xi32> to vector<16xi32>
      %swap3A_1122 = vector.shape_cast %add3A_1118 : vector<16xi32> to vector<16xi32>
      tpu.vector_store %arg7[%swap3A_1119], %swap3A_1122 {strides = array<i32>} : memref<512xi32, #tpu.memory_space<vmem>>, vector<16xi32>,
      %add3A_1123 = arith.constant 48 : i32
      %add3A_1124 = vector.broadcast %add3A_1123 : i32 to vector<16xi32>
      %add3A_1125 = arith.addi %iota3A, %add3A_1124 : vector<16xi32>
      %get3A_1126 = arith.constant 112 : index
      %get3A_1127 = tpu.vector_load %arg5[%get3A_1126] {strides = array<i32>} : memref<512xi32, #tpu.memory_space<vmem>>, vector<16xi32>,
      %get3A_1128 = vector.shape_cast %get3A_1127 : vector<16xi32> to vector<16xi32>
      %mul3A_1129 = arith.constant 64 : i32
      %mul3A_1130 = vector.broadcast %mul3A_1129 : i32 to vector<16xi32>
      %mul3A_1131 = arith.muli %get3A_1128, %mul3A_1130 : vector<16xi32>
      %add3A_1132 = arith.addi %mul3A_1131, %add3A_1125 : vector<16xi32>
      %swap3A_1133 = arith.constant 112 : index
      %swap3A_1134 = tpu.vector_load %arg7[%swap3A_1133] {strides = array<i32>} : memref<512xi32, #tpu.memory_space<vmem>>, vector<16xi32>,
      %swap3A_1135 = vector.shape_cast %swap3A_1134 : vector<16xi32> to vector<16xi32>
      %swap3A_1136 = vector.shape_cast %add3A_1132 : vector<16xi32> to vector<16xi32>
      tpu.vector_store %arg7[%swap3A_1133], %swap3A_1136 {strides = array<i32>} : memref<512xi32, #tpu.memory_space<vmem>>, vector<16xi32>,
      %add3A_1137 = arith.constant 0 : i32
      %add3A_1138 = vector.broadcast %add3A_1137 : i32 to vector<16xi32>
      %add3A_1139 = arith.addi %iota3A, %add3A_1138 : vector<16xi32>
      %get3A_1140 = arith.constant 128 : index
      %get3A_1141 = tpu.vector_load %arg5[%get3A_1140] {strides = array<i32>} : memref<512xi32, #tpu.memory_space<vmem>>, vector<16xi32>,
      %get3A_1142 = vector.shape_cast %get3A_1141 : vector<16xi32> to vector<16xi32>
      %mul3A_1143 = arith.constant 64 : i32
      %mul3A_1144 = vector.broadcast %mul3A_1143 : i32 to vector<16xi32>
      %mul3A_1145 = arith.muli %get3A_1142, %mul3A_1144 : vector<16xi32>
      %add3A_1146 = arith.addi %mul3A_1145, %add3A_1139 : vector<16xi32>
      %swap3A_1147 = arith.constant 128 : index
      %swap3A_1148 = tpu.vector_load %arg7[%swap3A_1147] {strides = array<i32>} : memref<512xi32, #tpu.memory_space<vmem>>, vector<16xi32>,
      %swap3A_1149 = vector.shape_cast %swap3A_1148 : vector<16xi32> to vector<16xi32>
      %swap3A_1150 = vector.shape_cast %add3A_1146 : vector<16xi32> to vector<16xi32>
      tpu.vector_store %arg7[%swap3A_1147], %swap3A_1150 {strides = array<i32>} : memref<512xi32, #tpu.memory_space<vmem>>, vector<16xi32>,
      %add3A_1151 = arith.constant 16 : i32
      %add3A_1152 = vector.broadcast %add3A_1151 : i32 to vector<16xi32>
      %add3A_1153 = arith.addi %iota3A, %add3A_1152 : vector<16xi32>
      %get3A_1154 = arith.constant 144 : index
      %get3A_1155 = tpu.vector_load %arg5[%get3A_1154] {strides = array<i32>} : memref<512xi32, #tpu.memory_space<vmem>>, vector<16xi32>,
      %get3A_1156 = vector.shape_cast %get3A_1155 : vector<16xi32> to vector<16xi32>
      %mul3A_1157 = arith.constant 64 : i32
      %mul3A_1158 = vector.broadcast %mul3A_1157 : i32 to vector<16xi32>
      %mul3A_1159 = arith.muli %get3A_1156, %mul3A_1158 : vector<16xi32>
      %add3A_1160 = arith.addi %mul3A_1159, %add3A_1153 : vector<16xi32>
      %swap3A_1161 = arith.constant 144 : index
      %swap3A_1162 = tpu.vector_load %arg7[%swap3A_1161] {strides = array<i32>} : memref<512xi32, #tpu.memory_space<vmem>>, vector<16xi32>,
      %swap3A_1163 = vector.shape_cast %swap3A_1162 : vector<16xi32> to vector<16xi32>
      %swap3A_1164 = vector.shape_cast %add3A_1160 : vector<16xi32> to vector<16xi32>
      tpu.vector_store %arg7[%swap3A_1161], %swap3A_1164 {strides = array<i32>} : memref<512xi32, #tpu.memory_space<vmem>>, vector<16xi32>,
      %add3A_1165 = arith.constant 32 : i32
      %add3A_1166 = vector.broadcast %add3A_1165 : i32 to vector<16xi32>
      %add3A_1167 = arith.addi %iota3A, %add3A_1166 : vector<16xi32>
      %get3A_1168 = arith.constant 160 : index
      %get3A_1169 = tpu.vector_load %arg5[%get3A_1168] {strides = array<i32>} : memref<512xi32, #tpu.memory_space<vmem>>, vector<16xi32>,
      %get3A_1170 = vector.shape_cast %get3A_1169 : vector<16xi32> to vector<16xi32>
      %mul3A_1171 = arith.constant 64 : i32
      %mul3A_1172 = vector.broadcast %mul3A_1171 : i32 to vector<16xi32>
      %mul3A_1173 = arith.muli %get3A_1170, %mul3A_1172 : vector<16xi32>
      %add3A_1174 = arith.addi %mul3A_1173, %add3A_1167 : vector<16xi32>
      %swap3A_1175 = arith.constant 160 : index
      %swap3A_1176 = tpu.vector_load %arg7[%swap3A_1175] {strides = array<i32>} : memref<512xi32, #tpu.memory_space<vmem>>, vector<16xi32>,
      %swap3A_1177 = vector.shape_cast %swap3A_1176 : vector<16xi32> to vector<16xi32>
      %swap3A_1178 = vector.shape_cast %add3A_1174 : vector<16xi32> to vector<16xi32>
      tpu.vector_store %arg7[%swap3A_1175], %swap3A_1178 {strides = array<i32>} : memref<512xi32, #tpu.memory_space<vmem>>, vector<16xi32>,
      %add3A_1179 = arith.constant 48 : i32
      %add3A_1180 = vector.broadcast %add3A_1179 : i32 to vector<16xi32>
      %add3A_1181 = arith.addi %iota3A, %add3A_1180 : vector<16xi32>
      %get3A_1182 = arith.constant 176 : index
      %get3A_1183 = tpu.vector_load %arg5[%get3A_1182] {strides = array<i32>} : memref<512xi32, #tpu.memory_space<vmem>>, vector<16xi32>,
      %get3A_1184 = vector.shape_cast %get3A_1183 : vector<16xi32> to vector<16xi32>
      %mul3A_1185 = arith.constant 64 : i32
      %mul3A_1186 = vector.broadcast %mul3A_1185 : i32 to vector<16xi32>
      %mul3A_1187 = arith.muli %get3A_1184, %mul3A_1186 : vector<16xi32>
      %add3A_1188 = arith.addi %mul3A_1187, %add3A_1181 : vector<16xi32>
      %swap3A_1189 = arith.constant 176 : index
      %swap3A_1190 = tpu.vector_load %arg7[%swap3A_1189] {strides = array<i32>} : memref<512xi32, #tpu.memory_space<vmem>>, vector<16xi32>,
      %swap3A_1191 = vector.shape_cast %swap3A_1190 : vector<16xi32> to vector<16xi32>
      %swap3A_1192 = vector.shape_cast %add3A_1188 : vector<16xi32> to vector<16xi32>
      tpu.vector_store %arg7[%swap3A_1189], %swap3A_1192 {strides = array<i32>} : memref<512xi32, #tpu.memory_space<vmem>>, vector<16xi32>,
      %add3A_1193 = arith.constant 0 : i32
      %add3A_1194 = vector.broadcast %add3A_1193 : i32 to vector<16xi32>
      %add3A_1195 = arith.addi %iota3A, %add3A_1194 : vector<16xi32>
      %get3A_1196 = arith.constant 192 : index
      %get3A_1197 = tpu.vector_load %arg5[%get3A_1196] {strides = array<i32>} : memref<512xi32, #tpu.memory_space<vmem>>, vector<16xi32>,
      %get3A_1198 = vector.shape_cast %get3A_1197 : vector<16xi32> to vector<16xi32>
      %mul3A_1199 = arith.constant 64 : i32
      %mul3A_1200 = vector.broadcast %mul3A_1199 : i32 to vector<16xi32>
      %mul3A_1201 = arith.muli %get3A_1198, %mul3A_1200 : vector<16xi32>
      %add3A_1202 = arith.addi %mul3A_1201, %add3A_1195 : vector<16xi32>
      %swap3A_1203 = arith.constant 192 : index
      %swap3A_1204 = tpu.vector_load %arg7[%swap3A_1203] {strides = array<i32>} : memref<512xi32, #tpu.memory_space<vmem>>, vector<16xi32>,
      %swap3A_1205 = vector.shape_cast %swap3A_1204 : vector<16xi32> to vector<16xi32>
      %swap3A_1206 = vector.shape_cast %add3A_1202 : vector<16xi32> to vector<16xi32>
      tpu.vector_store %arg7[%swap3A_1203], %swap3A_1206 {strides = array<i32>} : memref<512xi32, #tpu.memory_space<vmem>>, vector<16xi32>,
      %add3A_1207 = arith.constant 16 : i32
      %add3A_1208 = vector.broadcast %add3A_1207 : i32 to vector<16xi32>
      %add3A_1209 = arith.addi %iota3A, %add3A_1208 : vector<16xi32>
      %get3A_1210 = arith.constant 208 : index
      %get3A_1211 = tpu.vector_load %arg5[%get3A_1210] {strides = array<i32>} : memref<512xi32, #tpu.memory_space<vmem>>, vector<16xi32>,
      %get3A_1212 = vector.shape_cast %get3A_1211 : vector<16xi32> to vector<16xi32>
      %mul3A_1213 = arith.constant 64 : i32
      %mul3A_1214 = vector.broadcast %mul3A_1213 : i32 to vector<16xi32>
      %mul3A_1215 = arith.muli %get3A_1212, %mul3A_1214 : vector<16xi32>
      %add3A_1216 = arith.addi %mul3A_1215, %add3A_1209 : vector<16xi32>
      %swap3A_1217 = arith.constant 208 : index
      %swap3A_1218 = tpu.vector_load %arg7[%swap3A_1217] {strides = array<i32>} : memref<512xi32, #tpu.memory_space<vmem>>, vector<16xi32>,
      %swap3A_1219 = vector.shape_cast %swap3A_1218 : vector<16xi32> to vector<16xi32>
      %swap3A_1220 = vector.shape_cast %add3A_1216 : vector<16xi32> to vector<16xi32>
      tpu.vector_store %arg7[%swap3A_1217], %swap3A_1220 {strides = array<i32>} : memref<512xi32, #tpu.memory_space<vmem>>, vector<16xi32>,
      %add3A_1221 = arith.constant 32 : i32
      %add3A_1222 = vector.broadcast %add3A_1221 : i32 to vector<16xi32>
      %add3A_1223 = arith.addi %iota3A, %add3A_1222 : vector<16xi32>
      %get3A_1224 = arith.constant 224 : index
      %get3A_1225 = tpu.vector_load %arg5[%get3A_1224] {strides = array<i32>} : memref<512xi32, #tpu.memory_space<vmem>>, vector<16xi32>,
      %get3A_1226 = vector.shape_cast %get3A_1225 : vector<16xi32> to vector<16xi32>
      %mul3A_1227 = arith.constant 64 : i32
      %mul3A_1228 = vector.broadcast %mul3A_1227 : i32 to vector<16xi32>
      %mul3A_1229 = arith.muli %get3A_1226, %mul3A_1228 : vector<16xi32>
      %add3A_1230 = arith.addi %mul3A_1229, %add3A_1223 : vector<16xi32>
      %swap3A_1231 = arith.constant 224 : index
      %swap3A_1232 = tpu.vector_load %arg7[%swap3A_1231] {strides = array<i32>} : memref<512xi32, #tpu.memory_space<vmem>>, vector<16xi32>,
      %swap3A_1233 = vector.shape_cast %swap3A_1232 : vector<16xi32> to vector<16xi32>
      %swap3A_1234 = vector.shape_cast %add3A_1230 : vector<16xi32> to vector<16xi32>
      tpu.vector_store %arg7[%swap3A_1231], %swap3A_1234 {strides = array<i32>} : memref<512xi32, #tpu.memory_space<vmem>>, vector<16xi32>,
      %add3A_1235 = arith.constant 48 : i32
      %add3A_1236 = vector.broadcast %add3A_1235 : i32 to vector<16xi32>
      %add3A_1237 = arith.addi %iota3A, %add3A_1236 : vector<16xi32>
      %get3A_1238 = arith.constant 240 : index
      %get3A_1239 = tpu.vector_load %arg5[%get3A_1238] {strides = array<i32>} : memref<512xi32, #tpu.memory_space<vmem>>, vector<16xi32>,
      %get3A_1240 = vector.shape_cast %get3A_1239 : vector<16xi32> to vector<16xi32>
      %mul3A_1241 = arith.constant 64 : i32
      %mul3A_1242 = vector.broadcast %mul3A_1241 : i32 to vector<16xi32>
      %mul3A_1243 = arith.muli %get3A_1240, %mul3A_1242 : vector<16xi32>
      %add3A_1244 = arith.addi %mul3A_1243, %add3A_1237 : vector<16xi32>
      %swap3A_1245 = arith.constant 240 : index
      %swap3A_1246 = tpu.vector_load %arg7[%swap3A_1245] {strides = array<i32>} : memref<512xi32, #tpu.memory_space<vmem>>, vector<16xi32>,
      %swap3A_1247 = vector.shape_cast %swap3A_1246 : vector<16xi32> to vector<16xi32>
      %swap3A_1248 = vector.shape_cast %add3A_1244 : vector<16xi32> to vector<16xi32>
      tpu.vector_store %arg7[%swap3A_1245], %swap3A_1248 {strides = array<i32>} : memref<512xi32, #tpu.memory_space<vmem>>, vector<16xi32>,
      %add3A_1249 = arith.constant 0 : i32
      %add3A_1250 = vector.broadcast %add3A_1249 : i32 to vector<16xi32>
      %add3A_1251 = arith.addi %iota3A, %add3A_1250 : vector<16xi32>
      %get3A_1252 = arith.constant 256 : index
      %get3A_1253 = tpu.vector_load %arg5[%get3A_1252] {strides = array<i32>} : memref<512xi32, #tpu.memory_space<vmem>>, vector<16xi32>,
      %get3A_1254 = vector.shape_cast %get3A_1253 : vector<16xi32> to vector<16xi32>
      %mul3A_1255 = arith.constant 64 : i32
      %mul3A_1256 = vector.broadcast %mul3A_1255 : i32 to vector<16xi32>
      %mul3A_1257 = arith.muli %get3A_1254, %mul3A_1256 : vector<16xi32>
      %add3A_1258 = arith.addi %mul3A_1257, %add3A_1251 : vector<16xi32>
      %swap3A_1259 = arith.constant 256 : index
      %swap3A_1260 = tpu.vector_load %arg7[%swap3A_1259] {strides = array<i32>} : memref<512xi32, #tpu.memory_space<vmem>>, vector<16xi32>,
      %swap3A_1261 = vector.shape_cast %swap3A_1260 : vector<16xi32> to vector<16xi32>
      %swap3A_1262 = vector.shape_cast %add3A_1258 : vector<16xi32> to vector<16xi32>
      tpu.vector_store %arg7[%swap3A_1259], %swap3A_1262 {strides = array<i32>} : memref<512xi32, #tpu.memory_space<vmem>>, vector<16xi32>,
      %add3A_1263 = arith.constant 16 : i32
      %add3A_1264 = vector.broadcast %add3A_1263 : i32 to vector<16xi32>
      %add3A_1265 = arith.addi %iota3A, %add3A_1264 : vector<16xi32>
      %get3A_1266 = arith.constant 272 : index
      %get3A_1267 = tpu.vector_load %arg5[%get3A_1266] {strides = array<i32>} : memref<512xi32, #tpu.memory_space<vmem>>, vector<16xi32>,
      %get3A_1268 = vector.shape_cast %get3A_1267 : vector<16xi32> to vector<16xi32>
      %mul3A_1269 = arith.constant 64 : i32
      %mul3A_1270 = vector.broadcast %mul3A_1269 : i32 to vector<16xi32>
      %mul3A_1271 = arith.muli %get3A_1268, %mul3A_1270 : vector<16xi32>
      %add3A_1272 = arith.addi %mul3A_1271, %add3A_1265 : vector<16xi32>
      %swap3A_1273 = arith.constant 272 : index
      %swap3A_1274 = tpu.vector_load %arg7[%swap3A_1273] {strides = array<i32>} : memref<512xi32, #tpu.memory_space<vmem>>, vector<16xi32>,
      %swap3A_1275 = vector.shape_cast %swap3A_1274 : vector<16xi32> to vector<16xi32>
      %swap3A_1276 = vector.shape_cast %add3A_1272 : vector<16xi32> to vector<16xi32>
      tpu.vector_store %arg7[%swap3A_1273], %swap3A_1276 {strides = array<i32>} : memref<512xi32, #tpu.memory_space<vmem>>, vector<16xi32>,
      %add3A_1277 = arith.constant 32 : i32
      %add3A_1278 = vector.broadcast %add3A_1277 : i32 to vector<16xi32>
      %add3A_1279 = arith.addi %iota3A, %add3A_1278 : vector<16xi32>
      %get3A_1280 = arith.constant 288 : index
      %get3A_1281 = tpu.vector_load %arg5[%get3A_1280] {strides = array<i32>} : memref<512xi32, #tpu.memory_space<vmem>>, vector<16xi32>,
      %get3A_1282 = vector.shape_cast %get3A_1281 : vector<16xi32> to vector<16xi32>
      %mul3A_1283 = arith.constant 64 : i32
      %mul3A_1284 = vector.broadcast %mul3A_1283 : i32 to vector<16xi32>
      %mul3A_1285 = arith.muli %get3A_1282, %mul3A_1284 : vector<16xi32>
      %add3A_1286 = arith.addi %mul3A_1285, %add3A_1279 : vector<16xi32>
      %swap3A_1287 = arith.constant 288 : index
      %swap3A_1288 = tpu.vector_load %arg7[%swap3A_1287] {strides = array<i32>} : memref<512xi32, #tpu.memory_space<vmem>>, vector<16xi32>,
      %swap3A_1289 = vector.shape_cast %swap3A_1288 : vector<16xi32> to vector<16xi32>
      %swap3A_1290 = vector.shape_cast %add3A_1286 : vector<16xi32> to vector<16xi32>
      tpu.vector_store %arg7[%swap3A_1287], %swap3A_1290 {strides = array<i32>} : memref<512xi32, #tpu.memory_space<vmem>>, vector<16xi32>,
      %add3A_1291 = arith.constant 48 : i32
      %add3A_1292 = vector.broadcast %add3A_1291 : i32 to vector<16xi32>
      %add3A_1293 = arith.addi %iota3A, %add3A_1292 : vector<16xi32>
      %get3A_1294 = arith.constant 304 : index
      %get3A_1295 = tpu.vector_load %arg5[%get3A_1294] {strides = array<i32>} : memref<512xi32, #tpu.memory_space<vmem>>, vector<16xi32>,
      %get3A_1296 = vector.shape_cast %get3A_1295 : vector<16xi32> to vector<16xi32>
      %mul3A_1297 = arith.constant 64 : i32
      %mul3A_1298 = vector.broadcast %mul3A_1297 : i32 to vector<16xi32>
      %mul3A_1299 = arith.muli %get3A_1296, %mul3A_1298 : vector<16xi32>
      %add3A_1300 = arith.addi %mul3A_1299, %add3A_1293 : vector<16xi32>
      %swap3A_1301 = arith.constant 304 : index
      %swap3A_1302 = tpu.vector_load %arg7[%swap3A_1301] {strides = array<i32>} : memref<512xi32, #tpu.memory_space<vmem>>, vector<16xi32>,
      %swap3A_1303 = vector.shape_cast %swap3A_1302 : vector<16xi32> to vector<16xi32>
      %swap3A_1304 = vector.shape_cast %add3A_1300 : vector<16xi32> to vector<16xi32>
      tpu.vector_store %arg7[%swap3A_1301], %swap3A_1304 {strides = array<i32>} : memref<512xi32, #tpu.memory_space<vmem>>, vector<16xi32>,
      %add3A_1305 = arith.constant 0 : i32
      %add3A_1306 = vector.broadcast %add3A_1305 : i32 to vector<16xi32>
      %add3A_1307 = arith.addi %iota3A, %add3A_1306 : vector<16xi32>
      %get3A_1308 = arith.constant 320 : index
      %get3A_1309 = tpu.vector_load %arg5[%get3A_1308] {strides = array<i32>} : memref<512xi32, #tpu.memory_space<vmem>>, vector<16xi32>,
      %get3A_1310 = vector.shape_cast %get3A_1309 : vector<16xi32> to vector<16xi32>
      %mul3A_1311 = arith.constant 64 : i32
      %mul3A_1312 = vector.broadcast %mul3A_1311 : i32 to vector<16xi32>
      %mul3A_1313 = arith.muli %get3A_1310, %mul3A_1312 : vector<16xi32>
      %add3A_1314 = arith.addi %mul3A_1313, %add3A_1307 : vector<16xi32>
      %swap3A_1315 = arith.constant 320 : index
      %swap3A_1316 = tpu.vector_load %arg7[%swap3A_1315] {strides = array<i32>} : memref<512xi32, #tpu.memory_space<vmem>>, vector<16xi32>,
      %swap3A_1317 = vector.shape_cast %swap3A_1316 : vector<16xi32> to vector<16xi32>
      %swap3A_1318 = vector.shape_cast %add3A_1314 : vector<16xi32> to vector<16xi32>
      tpu.vector_store %arg7[%swap3A_1315], %swap3A_1318 {strides = array<i32>} : memref<512xi32, #tpu.memory_space<vmem>>, vector<16xi32>,
      %add3A_1319 = arith.constant 16 : i32
      %add3A_1320 = vector.broadcast %add3A_1319 : i32 to vector<16xi32>
      %add3A_1321 = arith.addi %iota3A, %add3A_1320 : vector<16xi32>
      %get3A_1322 = arith.constant 336 : index
      %get3A_1323 = tpu.vector_load %arg5[%get3A_1322] {strides = array<i32>} : memref<512xi32, #tpu.memory_space<vmem>>, vector<16xi32>,
      %get3A_1324 = vector.shape_cast %get3A_1323 : vector<16xi32> to vector<16xi32>
      %mul3A_1325 = arith.constant 64 : i32
      %mul3A_1326 = vector.broadcast %mul3A_1325 : i32 to vector<16xi32>
      %mul3A_1327 = arith.muli %get3A_1324, %mul3A_1326 : vector<16xi32>
      %add3A_1328 = arith.addi %mul3A_1327, %add3A_1321 : vector<16xi32>
      %swap3A_1329 = arith.constant 336 : index
      %swap3A_1330 = tpu.vector_load %arg7[%swap3A_1329] {strides = array<i32>} : memref<512xi32, #tpu.memory_space<vmem>>, vector<16xi32>,
      %swap3A_1331 = vector.shape_cast %swap3A_1330 : vector<16xi32> to vector<16xi32>
      %swap3A_1332 = vector.shape_cast %add3A_1328 : vector<16xi32> to vector<16xi32>
      tpu.vector_store %arg7[%swap3A_1329], %swap3A_1332 {strides = array<i32>} : memref<512xi32, #tpu.memory_space<vmem>>, vector<16xi32>,
      %add3A_1333 = arith.constant 32 : i32
      %add3A_1334 = vector.broadcast %add3A_1333 : i32 to vector<16xi32>
      %add3A_1335 = arith.addi %iota3A, %add3A_1334 : vector<16xi32>
      %get3A_1336 = arith.constant 352 : index
      %get3A_1337 = tpu.vector_load %arg5[%get3A_1336] {strides = array<i32>} : memref<512xi32, #tpu.memory_space<vmem>>, vector<16xi32>,
      %get3A_1338 = vector.shape_cast %get3A_1337 : vector<16xi32> to vector<16xi32>
      %mul3A_1339 = arith.constant 64 : i32
      %mul3A_1340 = vector.broadcast %mul3A_1339 : i32 to vector<16xi32>
      %mul3A_1341 = arith.muli %get3A_1338, %mul3A_1340 : vector<16xi32>
      %add3A_1342 = arith.addi %mul3A_1341, %add3A_1335 : vector<16xi32>
      %swap3A_1343 = arith.constant 352 : index
      %swap3A_1344 = tpu.vector_load %arg7[%swap3A_1343] {strides = array<i32>} : memref<512xi32, #tpu.memory_space<vmem>>, vector<16xi32>,
      %swap3A_1345 = vector.shape_cast %swap3A_1344 : vector<16xi32> to vector<16xi32>
      %swap3A_1346 = vector.shape_cast %add3A_1342 : vector<16xi32> to vector<16xi32>
      tpu.vector_store %arg7[%swap3A_1343], %swap3A_1346 {strides = array<i32>} : memref<512xi32, #tpu.memory_space<vmem>>, vector<16xi32>,
      %add3A_1347 = arith.constant 48 : i32
      %add3A_1348 = vector.broadcast %add3A_1347 : i32 to vector<16xi32>
      %add3A_1349 = arith.addi %iota3A, %add3A_1348 : vector<16xi32>
      %get3A_1350 = arith.constant 368 : index
      %get3A_1351 = tpu.vector_load %arg5[%get3A_1350] {strides = array<i32>} : memref<512xi32, #tpu.memory_space<vmem>>, vector<16xi32>,
      %get3A_1352 = vector.shape_cast %get3A_1351 : vector<16xi32> to vector<16xi32>
      %mul3A_1353 = arith.constant 64 : i32
      %mul3A_1354 = vector.broadcast %mul3A_1353 : i32 to vector<16xi32>
      %mul3A_1355 = arith.muli %get3A_1352, %mul3A_1354 : vector<16xi32>
      %add3A_1356 = arith.addi %mul3A_1355, %add3A_1349 : vector<16xi32>
      %swap3A_1357 = arith.constant 368 : index
      %swap3A_1358 = tpu.vector_load %arg7[%swap3A_1357] {strides = array<i32>} : memref<512xi32, #tpu.memory_space<vmem>>, vector<16xi32>,
      %swap3A_1359 = vector.shape_cast %swap3A_1358 : vector<16xi32> to vector<16xi32>
      %swap3A_1360 = vector.shape_cast %add3A_1356 : vector<16xi32> to vector<16xi32>
      tpu.vector_store %arg7[%swap3A_1357], %swap3A_1360 {strides = array<i32>} : memref<512xi32, #tpu.memory_space<vmem>>, vector<16xi32>,
      %add3A_1361 = arith.constant 0 : i32
      %add3A_1362 = vector.broadcast %add3A_1361 : i32 to vector<16xi32>
      %add3A_1363 = arith.addi %iota3A, %add3A_1362 : vector<16xi32>
      %get3A_1364 = arith.constant 384 : index
      %get3A_1365 = tpu.vector_load %arg5[%get3A_1364] {strides = array<i32>} : memref<512xi32, #tpu.memory_space<vmem>>, vector<16xi32>,
      %get3A_1366 = vector.shape_cast %get3A_1365 : vector<16xi32> to vector<16xi32>
      %mul3A_1367 = arith.constant 64 : i32
      %mul3A_1368 = vector.broadcast %mul3A_1367 : i32 to vector<16xi32>
      %mul3A_1369 = arith.muli %get3A_1366, %mul3A_1368 : vector<16xi32>
      %add3A_1370 = arith.addi %mul3A_1369, %add3A_1363 : vector<16xi32>
      %swap3A_1371 = arith.constant 384 : index
      %swap3A_1372 = tpu.vector_load %arg7[%swap3A_1371] {strides = array<i32>} : memref<512xi32, #tpu.memory_space<vmem>>, vector<16xi32>,
      %swap3A_1373 = vector.shape_cast %swap3A_1372 : vector<16xi32> to vector<16xi32>
      %swap3A_1374 = vector.shape_cast %add3A_1370 : vector<16xi32> to vector<16xi32>
      tpu.vector_store %arg7[%swap3A_1371], %swap3A_1374 {strides = array<i32>} : memref<512xi32, #tpu.memory_space<vmem>>, vector<16xi32>,
      %add3A_1375 = arith.constant 16 : i32
      %add3A_1376 = vector.broadcast %add3A_1375 : i32 to vector<16xi32>
      %add3A_1377 = arith.addi %iota3A, %add3A_1376 : vector<16xi32>
      %get3A_1378 = arith.constant 400 : index
      %get3A_1379 = tpu.vector_load %arg5[%get3A_1378] {strides = array<i32>} : memref<512xi32, #tpu.memory_space<vmem>>, vector<16xi32>,
      %get3A_1380 = vector.shape_cast %get3A_1379 : vector<16xi32> to vector<16xi32>
      %mul3A_1381 = arith.constant 64 : i32
      %mul3A_1382 = vector.broadcast %mul3A_1381 : i32 to vector<16xi32>
      %mul3A_1383 = arith.muli %get3A_1380, %mul3A_1382 : vector<16xi32>
      %add3A_1384 = arith.addi %mul3A_1383, %add3A_1377 : vector<16xi32>
      %swap3A_1385 = arith.constant 400 : index
      %swap3A_1386 = tpu.vector_load %arg7[%swap3A_1385] {strides = array<i32>} : memref<512xi32, #tpu.memory_space<vmem>>, vector<16xi32>,
      %swap3A_1387 = vector.shape_cast %swap3A_1386 : vector<16xi32> to vector<16xi32>
      %swap3A_1388 = vector.shape_cast %add3A_1384 : vector<16xi32> to vector<16xi32>
      tpu.vector_store %arg7[%swap3A_1385], %swap3A_1388 {strides = array<i32>} : memref<512xi32, #tpu.memory_space<vmem>>, vector<16xi32>,
      %add3A_1389 = arith.constant 32 : i32
      %add3A_1390 = vector.broadcast %add3A_1389 : i32 to vector<16xi32>
      %add3A_1391 = arith.addi %iota3A, %add3A_1390 : vector<16xi32>
      %get3A_1392 = arith.constant 416 : index
      %get3A_1393 = tpu.vector_load %arg5[%get3A_1392] {strides = array<i32>} : memref<512xi32, #tpu.memory_space<vmem>>, vector<16xi32>,
      %get3A_1394 = vector.shape_cast %get3A_1393 : vector<16xi32> to vector<16xi32>
      %mul3A_1395 = arith.constant 64 : i32
      %mul3A_1396 = vector.broadcast %mul3A_1395 : i32 to vector<16xi32>
      %mul3A_1397 = arith.muli %get3A_1394, %mul3A_1396 : vector<16xi32>
      %add3A_1398 = arith.addi %mul3A_1397, %add3A_1391 : vector<16xi32>
      %swap3A_1399 = arith.constant 416 : index
      %swap3A_1400 = tpu.vector_load %arg7[%swap3A_1399] {strides = array<i32>} : memref<512xi32, #tpu.memory_space<vmem>>, vector<16xi32>,
      %swap3A_1401 = vector.shape_cast %swap3A_1400 : vector<16xi32> to vector<16xi32>
      %swap3A_1402 = vector.shape_cast %add3A_1398 : vector<16xi32> to vector<16xi32>
      tpu.vector_store %arg7[%swap3A_1399], %swap3A_1402 {strides = array<i32>} : memref<512xi32, #tpu.memory_space<vmem>>, vector<16xi32>,
      %add3A_1403 = arith.constant 48 : i32
      %add3A_1404 = vector.broadcast %add3A_1403 : i32 to vector<16xi32>
      %add3A_1405 = arith.addi %iota3A, %add3A_1404 : vector<16xi32>
      %get3A_1406 = arith.constant 432 : index
      %get3A_1407 = tpu.vector_load %arg5[%get3A_1406] {strides = array<i32>} : memref<512xi32, #tpu.memory_space<vmem>>, vector<16xi32>,
      %get3A_1408 = vector.shape_cast %get3A_1407 : vector<16xi32> to vector<16xi32>
      %mul3A_1409 = arith.constant 64 : i32
      %mul3A_1410 = vector.broadcast %mul3A_1409 : i32 to vector<16xi32>
      %mul3A_1411 = arith.muli %get3A_1408, %mul3A_1410 : vector<16xi32>
      %add3A_1412 = arith.addi %mul3A_1411, %add3A_1405 : vector<16xi32>
      %swap3A_1413 = arith.constant 432 : index
      %swap3A_1414 = tpu.vector_load %arg7[%swap3A_1413] {strides = array<i32>} : memref<512xi32, #tpu.memory_space<vmem>>, vector<16xi32>,
      %swap3A_1415 = vector.shape_cast %swap3A_1414 : vector<16xi32> to vector<16xi32>
      %swap3A_1416 = vector.shape_cast %add3A_1412 : vector<16xi32> to vector<16xi32>
      tpu.vector_store %arg7[%swap3A_1413], %swap3A_1416 {strides = array<i32>} : memref<512xi32, #tpu.memory_space<vmem>>, vector<16xi32>,
      %add3A_1417 = arith.constant 0 : i32
      %add3A_1418 = vector.broadcast %add3A_1417 : i32 to vector<16xi32>
      %add3A_1419 = arith.addi %iota3A, %add3A_1418 : vector<16xi32>
      %get3A_1420 = arith.constant 448 : index
      %get3A_1421 = tpu.vector_load %arg5[%get3A_1420] {strides = array<i32>} : memref<512xi32, #tpu.memory_space<vmem>>, vector<16xi32>,
      %get3A_1422 = vector.shape_cast %get3A_1421 : vector<16xi32> to vector<16xi32>
      %mul3A_1423 = arith.constant 64 : i32
      %mul3A_1424 = vector.broadcast %mul3A_1423 : i32 to vector<16xi32>
      %mul3A_1425 = arith.muli %get3A_1422, %mul3A_1424 : vector<16xi32>
      %add3A_1426 = arith.addi %mul3A_1425, %add3A_1419 : vector<16xi32>
      %swap3A_1427 = arith.constant 448 : index
      %swap3A_1428 = tpu.vector_load %arg7[%swap3A_1427] {strides = array<i32>} : memref<512xi32, #tpu.memory_space<vmem>>, vector<16xi32>,
      %swap3A_1429 = vector.shape_cast %swap3A_1428 : vector<16xi32> to vector<16xi32>
      %swap3A_1430 = vector.shape_cast %add3A_1426 : vector<16xi32> to vector<16xi32>
      tpu.vector_store %arg7[%swap3A_1427], %swap3A_1430 {strides = array<i32>} : memref<512xi32, #tpu.memory_space<vmem>>, vector<16xi32>,
      %add3A_1431 = arith.constant 16 : i32
      %add3A_1432 = vector.broadcast %add3A_1431 : i32 to vector<16xi32>
      %add3A_1433 = arith.addi %iota3A, %add3A_1432 : vector<16xi32>
      %get3A_1434 = arith.constant 464 : index
      %get3A_1435 = tpu.vector_load %arg5[%get3A_1434] {strides = array<i32>} : memref<512xi32, #tpu.memory_space<vmem>>, vector<16xi32>,
      %get3A_1436 = vector.shape_cast %get3A_1435 : vector<16xi32> to vector<16xi32>
      %mul3A_1437 = arith.constant 64 : i32
      %mul3A_1438 = vector.broadcast %mul3A_1437 : i32 to vector<16xi32>
      %mul3A_1439 = arith.muli %get3A_1436, %mul3A_1438 : vector<16xi32>
      %add3A_1440 = arith.addi %mul3A_1439, %add3A_1433 : vector<16xi32>
      %swap3A_1441 = arith.constant 464 : index
      %swap3A_1442 = tpu.vector_load %arg7[%swap3A_1441] {strides = array<i32>} : memref<512xi32, #tpu.memory_space<vmem>>, vector<16xi32>,
      %swap3A_1443 = vector.shape_cast %swap3A_1442 : vector<16xi32> to vector<16xi32>
      %swap3A_1444 = vector.shape_cast %add3A_1440 : vector<16xi32> to vector<16xi32>
      tpu.vector_store %arg7[%swap3A_1441], %swap3A_1444 {strides = array<i32>} : memref<512xi32, #tpu.memory_space<vmem>>, vector<16xi32>,
      %add3A_1445 = arith.constant 32 : i32
      %add3A_1446 = vector.broadcast %add3A_1445 : i32 to vector<16xi32>
      %add3A_1447 = arith.addi %iota3A, %add3A_1446 : vector<16xi32>
      %get3A_1448 = arith.constant 480 : index
      %get3A_1449 = tpu.vector_load %arg5[%get3A_1448] {strides = array<i32>} : memref<512xi32, #tpu.memory_space<vmem>>, vector<16xi32>,
      %get3A_1450 = vector.shape_cast %get3A_1449 : vector<16xi32> to vector<16xi32>
      %mul3A_1451 = arith.constant 64 : i32
      %mul3A_1452 = vector.broadcast %mul3A_1451 : i32 to vector<16xi32>
      %mul3A_1453 = arith.muli %get3A_1450, %mul3A_1452 : vector<16xi32>
      %add3A_1454 = arith.addi %mul3A_1453, %add3A_1447 : vector<16xi32>
      %swap3A_1455 = arith.constant 480 : index
      %swap3A_1456 = tpu.vector_load %arg7[%swap3A_1455] {strides = array<i32>} : memref<512xi32, #tpu.memory_space<vmem>>, vector<16xi32>,
      %swap3A_1457 = vector.shape_cast %swap3A_1456 : vector<16xi32> to vector<16xi32>
      %swap3A_1458 = vector.shape_cast %add3A_1454 : vector<16xi32> to vector<16xi32>
      tpu.vector_store %arg7[%swap3A_1455], %swap3A_1458 {strides = array<i32>} : memref<512xi32, #tpu.memory_space<vmem>>, vector<16xi32>,
      %add3A_1459 = arith.constant 48 : i32
      %add3A_1460 = vector.broadcast %add3A_1459 : i32 to vector<16xi32>
      %add3A_1461 = arith.addi %iota3A, %add3A_1460 : vector<16xi32>
      %get3A_1462 = arith.constant 496 : index
      %get3A_1463 = tpu.vector_load %arg5[%get3A_1462] {strides = array<i32>} : memref<512xi32, #tpu.memory_space<vmem>>, vector<16xi32>,
      %get3A_1464 = vector.shape_cast %get3A_1463 : vector<16xi32> to vector<16xi32>
      %mul3A_1465 = arith.constant 64 : i32
      %mul3A_1466 = vector.broadcast %mul3A_1465 : i32 to vector<16xi32>
      %mul3A_1467 = arith.muli %get3A_1464, %mul3A_1466 : vector<16xi32>
      %add3A_1468 = arith.addi %mul3A_1467, %add3A_1461 : vector<16xi32>
      %swap3A_1469 = arith.constant 496 : index
      %swap3A_1470 = tpu.vector_load %arg7[%swap3A_1469] {strides = array<i32>} : memref<512xi32, #tpu.memory_space<vmem>>, vector<16xi32>,
      %swap3A_1471 = vector.shape_cast %swap3A_1470 : vector<16xi32> to vector<16xi32>
      %swap3A_1472 = vector.shape_cast %add3A_1468 : vector<16xi32> to vector<16xi32>
      tpu.vector_store %arg7[%swap3A_1469], %swap3A_1472 {strides = array<i32>} : memref<512xi32, #tpu.memory_space<vmem>>, vector<16xi32>,
      "tpu.region"() ({
        %run_scoped3A = tpu.sem_alloc : memref<!tpu.dma_semaphore, #tpu.memory_space<semaphore_mem>>
        tpu.enqueue_dma source(%arg8 : memref<4096xf32, #tpu.memory_space<vmem>>) target(%arg9 : memref<4096xf32, #tpu.memory_space<vmem_shared>>) target_semaphore(%run_scoped3A : memref<!tpu.dma_semaphore, #tpu.memory_space<semaphore_mem>>)
        tpu.wait_dma2 semaphore(%run_scoped3A : memref<!tpu.dma_semaphore, #tpu.memory_space<semaphore_mem>>) src(%arg8 : memref<4096xf32, #tpu.memory_space<vmem>>) dst(%arg9 : memref<4096xf32, #tpu.memory_space<vmem_shared>>)
        tpu.yield
      }) : () -> ()
      "tpu.region"() ({
        %run_scoped3A = tpu.sem_alloc : memref<!tpu.dma_semaphore, #tpu.memory_space<semaphore_mem>>
        %dma_start3A = arith.constant 0 : i32
        %dma_start3A_1473 = tpu.memref_slice %arg9[%dma_start3A] : memref<4096xf32, #tpu.memory_space<vmem_shared>> -> memref<4096xf32, #tpu.memory_space<vmem_shared>>
        tpu.enqueue_indirect_dma source(%arg6 : memref<512xf32, #tpu.memory_space<vmem>>) target(%dma_start3A_1473 : memref<4096xf32, #tpu.memory_space<vmem_shared>>) offsets(%arg7 : memref<512xi32, #tpu.memory_space<vmem>>) semaphore(%run_scoped3A : memref<!tpu.dma_semaphore, #tpu.memory_space<semaphore_mem>>) {add = true}
        %dma_wait3A = arith.constant 0 : i32
        %dma_wait3A_1474 = tpu.memref_slice %arg9[%dma_wait3A] : memref<4096xf32, #tpu.memory_space<vmem_shared>> -> memref<4096xf32, #tpu.memory_space<vmem_shared>>
        tpu.wait_indirect_dma semaphore(%run_scoped3A : memref<!tpu.dma_semaphore, #tpu.memory_space<semaphore_mem>>) src(%arg6 : memref<512xf32, #tpu.memory_space<vmem>>) dst(%dma_wait3A_1474 : memref<4096xf32, #tpu.memory_space<vmem_shared>>)
        tpu.yield
      }) : () -> ()
      "tpu.region"() ({
        %run_scoped3A = tpu.sem_alloc : memref<!tpu.dma_semaphore, #tpu.memory_space<semaphore_mem>>
        tpu.enqueue_dma source(%arg9 : memref<4096xf32, #tpu.memory_space<vmem_shared>>) target(%arg4 : memref<4096xf32, #tpu.memory_space<hbm>>) target_semaphore(%run_scoped3A : memref<!tpu.dma_semaphore, #tpu.memory_space<semaphore_mem>>)
        tpu.wait_dma2 semaphore(%run_scoped3A : memref<!tpu.dma_semaphore, #tpu.memory_space<semaphore_mem>>) src(%arg9 : memref<4096xf32, #tpu.memory_space<vmem_shared>>) dst(%arg4 : memref<4096xf32, #tpu.memory_space<hbm>>)
        tpu.yield
      }) : () -> ()
    } else {
    }
    return
  }
}

module attributes {stable_mosaic.version = 14 : i64} {
  func.func @_moe_body(%arg0: i32, %arg1: memref<64x1024xf32, #tpu.memory_space<vmem>>, %arg2: memref<1x1x64xf32, #tpu.memory_space<vmem>>, %arg3: memref<1x512x1024xf32, #tpu.memory_space<vmem>>, %arg4: memref<1x512x1024xf32, #tpu.memory_space<vmem>>, %arg5: memref<1x1024x512xf32, #tpu.memory_space<vmem>>, %arg6: memref<64x1024xf32, #tpu.memory_space<vmem>>) attributes {dimension_semantics = [#tpu.dimension_semantics<arbitrary>], iteration_bounds = array<i64: 64>, scalar_prefetch = 0 : i64, scratch_operands = 0 : i64, tpu.core_type = #tpu.core_type<tc>, window_params = [{pipeline_mode = #tpu.pipeline_mode<synchronous>, transform_indices = @transform_0, window_bounds = array<i64: 64, 1024>}, {transform_indices = @transform_1, window_bounds = array<i64: 1, 1, 64>}, {transform_indices = @transform_2, window_bounds = array<i64: 1, 512, 1024>}, {transform_indices = @transform_3, window_bounds = array<i64: 1, 512, 1024>}, {transform_indices = @transform_4, window_bounds = array<i64: 1, 1024, 512>}, {pipeline_mode = #tpu.pipeline_mode<synchronous>, transform_indices = @transform_5, window_bounds = array<i64: 64, 1024>}]} {
    %get3A = arith.constant 0 : index
    %get3A_0 = arith.constant 0 : index
    %get3A_1 = vector.load %arg1[%get3A, %get3A_0] : memref<64x1024xf32, #tpu.memory_space<vmem>>, vector<64x1024xf32>
    %get3A_2 = arith.constant 0 : index
    %get3A_3 = arith.constant 0 : index
    %get3A_4 = arith.constant 0 : index
    %get3A_5 = vector.load %arg3[%get3A_2, %get3A_3, %get3A_4] : memref<1x512x1024xf32, #tpu.memory_space<vmem>>, vector<1x512x1024xf32>
    %get3A_6 = vector.shape_cast %get3A_5 : vector<1x512x1024xf32> to vector<512x1024xf32>
    %dot_general3A = arith.constant dense<0.000000e+00> : vector<64x512xf32>
    %dot_general3A_7 = tpu.matmul %get3A_1, %get3A_6, %dot_general3A {dimension_numbers = #tpu.dot_dimension_numbers<[1], [1], [0], [0], [0, 0, 1, 0], [], []>, transpose_lhs_hint = false} : vector<64x1024xf32>, vector<512x1024xf32>, vector<64x512xf32> -> vector<64x512xf32>
    %get3A_8 = arith.constant 0 : index
    %get3A_9 = arith.constant 0 : index
    %get3A_10 = arith.constant 0 : index
    %get3A_11 = vector.load %arg4[%get3A_8, %get3A_9, %get3A_10] : memref<1x512x1024xf32, #tpu.memory_space<vmem>>, vector<1x512x1024xf32>
    %get3A_12 = vector.shape_cast %get3A_11 : vector<1x512x1024xf32> to vector<512x1024xf32>
    %dot_general3A_13 = arith.constant dense<0.000000e+00> : vector<64x512xf32>
    %dot_general3A_14 = tpu.matmul %get3A_1, %get3A_12, %dot_general3A_13 {dimension_numbers = #tpu.dot_dimension_numbers<[1], [1], [0], [0], [0, 0, 1, 0], [], []>, transpose_lhs_hint = false} : vector<64x1024xf32>, vector<512x1024xf32>, vector<64x512xf32> -> vector<64x512xf32>
    %logistic3A = arith.negf %dot_general3A_7 : vector<64x512xf32>
    %logistic3A_15 = math.exp %logistic3A : vector<64x512xf32>
    %logistic3A_16 = arith.constant 1.000000e+00 : f32
    %logistic3A_17 = vector.broadcast %logistic3A_16 : f32 to vector<64x512xf32>
    %logistic3A_18 = arith.addf %logistic3A_17, %logistic3A_15 : vector<64x512xf32>
    %logistic3A_19 = arith.divf %logistic3A_17, %logistic3A_18 : vector<64x512xf32>
    %mul3A = arith.mulf %dot_general3A_7, %logistic3A_19 : vector<64x512xf32>
    %mul3A_20 = arith.mulf %mul3A, %dot_general3A_14 : vector<64x512xf32>
    %get3A_21 = arith.constant 0 : index
    %get3A_22 = arith.constant 0 : index
    %get3A_23 = arith.constant 0 : index
    %get3A_24 = vector.load %arg5[%get3A_21, %get3A_22, %get3A_23] : memref<1x1024x512xf32, #tpu.memory_space<vmem>>, vector<1x1024x512xf32>
    %get3A_25 = vector.shape_cast %get3A_24 : vector<1x1024x512xf32> to vector<1024x512xf32>
    %dot_general3A_26 = arith.constant dense<0.000000e+00> : vector<64x1024xf32>
    %dot_general3A_27 = tpu.matmul %mul3A_20, %get3A_25, %dot_general3A_26 {dimension_numbers = #tpu.dot_dimension_numbers<[1], [1], [0], [0], [0, 0, 1, 0], [], []>, transpose_lhs_hint = false} : vector<64x512xf32>, vector<1024x512xf32>, vector<64x1024xf32> -> vector<64x1024xf32>
    %get3A_28 = arith.constant 0 : index
    %get3A_29 = arith.constant 0 : index
    %get3A_30 = arith.constant 0 : index
    %get3A_31 = vector.load %arg2[%get3A_28, %get3A_29, %get3A_30] : memref<1x1x64xf32, #tpu.memory_space<vmem>>, vector<1x1x64xf32>
    %get3A_32 = vector.shape_cast %get3A_31 : vector<1x1x64xf32> to vector<64xf32>
    %broadcast_in_dim3A = vector.shape_cast %get3A_32 : vector<64xf32> to vector<64x1xf32>
    %mul3A_33 = vector.broadcast %broadcast_in_dim3A : vector<64x1xf32> to vector<64x1024xf32>
    %mul3A_34 = arith.mulf %dot_general3A_27, %mul3A_33 : vector<64x1024xf32>
    %eq3A = arith.constant 0 : i32
    %eq3A_35 = arith.cmpi eq, %arg0, %eq3A : i32
    %convert_element_type3A = arith.extui %eq3A_35 : i1 to i32
    %cond3A = arith.constant 0 : i32
    %cond3A_36 = arith.cmpi ne, %convert_element_type3A, %cond3A : i32
    scf.if %cond3A_36 {
      %swap3A = arith.constant 0 : index
      %swap3A_41 = arith.constant 0 : index
      %swap3A_42 = vector.load %arg6[%swap3A, %swap3A_41] : memref<64x1024xf32, #tpu.memory_space<vmem>>, vector<64x1024xf32>
      tpu.vector_store %arg6[%swap3A, %swap3A_41], %mul3A_34 {strides = array<i32>} : memref<64x1024xf32, #tpu.memory_space<vmem>>, vector<64x1024xf32>,
    } else {
    }
    %ne3A = arith.constant 0 : i32
    %ne3A_37 = arith.cmpi ne, %arg0, %ne3A : i32
    %convert_element_type3A_38 = arith.extui %ne3A_37 : i1 to i32
    %cond3A_39 = arith.constant 0 : i32
    %cond3A_40 = arith.cmpi ne, %convert_element_type3A_38, %cond3A_39 : i32
    scf.if %cond3A_40 {
      %get3A_41 = arith.constant 0 : index
      %get3A_42 = arith.constant 0 : index
      %get3A_43 = vector.load %arg6[%get3A_41, %get3A_42] : memref<64x1024xf32, #tpu.memory_space<vmem>>, vector<64x1024xf32>
      %add3A = arith.addf %get3A_43, %mul3A_34 : vector<64x1024xf32>
      %swap3A = arith.constant 0 : index
      %swap3A_44 = arith.constant 0 : index
      %swap3A_45 = vector.load %arg6[%swap3A, %swap3A_44] : memref<64x1024xf32, #tpu.memory_space<vmem>>, vector<64x1024xf32>
      tpu.vector_store %arg6[%swap3A, %swap3A_44], %add3A {strides = array<i32>} : memref<64x1024xf32, #tpu.memory_space<vmem>>, vector<64x1024xf32>,
    } else {
    }
    return
  }
  func.func @transform_0(%arg0: i32) -> (i32, i32) {
    %c0_i32 = arith.constant 0 : i32
    %c0_i32_0 = arith.constant 0 : i32
    %c0_i32_1 = arith.constant 0 : i32
    return %c0_i32, %c0_i32_0 : i32, i32
  }
  func.func @transform_1(%arg0: i32) -> (i32, i32, i32) {
    %c0_i32 = arith.constant 0 : i32
    %c0_i32_0 = arith.constant 0 : i32
    %c0_i32_1 = arith.constant 0 : i32
    return %arg0, %c0_i32, %c0_i32_0 : i32, i32, i32
  }
  func.func @transform_2(%arg0: i32) -> (i32, i32, i32) {
    %c0_i32 = arith.constant 0 : i32
    %c0_i32_0 = arith.constant 0 : i32
    %c0_i32_1 = arith.constant 0 : i32
    return %arg0, %c0_i32, %c0_i32_0 : i32, i32, i32
  }
  func.func @transform_3(%arg0: i32) -> (i32, i32, i32) {
    %c1_i32 = arith.constant 1 : i32
    %c0_i32 = arith.constant 0 : i32
    %c0_i32_0 = arith.constant 0 : i32
    return %arg0, %c1_i32, %c0_i32 : i32, i32, i32
  }
  func.func @transform_4(%arg0: i32) -> (i32, i32, i32) {
    %c0_i32 = arith.constant 0 : i32
    %c0_i32_0 = arith.constant 0 : i32
    %c0_i32_1 = arith.constant 0 : i32
    return %arg0, %c0_i32, %c0_i32_0 : i32, i32, i32
  }
  func.func @transform_5(%arg0: i32) -> (i32, i32) {
    %c0_i32 = arith.constant 0 : i32
    %c0_i32_0 = arith.constant 0 : i32
    %c0_i32_1 = arith.constant 0 : i32
    return %c0_i32, %c0_i32_0 : i32, i32
  }
}

</mosaic_0001>

<sc_bundles>
// kernel: kernel.4.cloned.1.call-start
scs
__scs_entry_jumppad:
0x0: {  	(pc) =	sbr.rel $0x88, $3  }
0x1: {  	(tag) =	ssettag $0x0;
	lr =	simm.s32 $0x1  }
0x2: {  	[smem:$0x3F9C] =	sst lr;
	_ =	strace $0xD0000000  }
0x3: {  	_ = 	snop  }
0x4: {  	_ = 	snop  }
0x5: {  	_ = 	snop  }
0x6: {  	_ = 	snop  }
0x7: {  	_ = 	snop  }
__scs_overlays_trampoline_lowered:
0x8: {  	[smem:$0x3FAB] =	sst s0  }
0x9: {  	[smem:$0x3FAC] =	sst s1  }
0xa: {  	[smem:$0x3FAD] =	sst s2  }
0xb: {  	[smem:$0x3FAE] =	sst s3  }
0xc: {  	[smem:$0x3FAF] =	sst s4  }
0xd: {  	[smem:$0x3FB0] =	sst s5  }
0xe: {  	[smem:$0x3FB1] =	sst s6  }
0xf: {  	[smem:$0x3FB2] =	sst s7  }
0x10: {  	[smem:$0x3FB3] =	sst s8  }
0x11: {  	[smem:$0x3FB4] =	sst s9;
	s0 =	simm.s32 @!p0 $0x0  }
0x12: {  	s1 =	sld [smem:$0x3F9A];
	s0 =	simm.s32 @p0 $0x1  }
0x13: {  	[smem:$0x3FB5] =	sst s0;
	s0 =	simm.s32 @!p1 $0x0  }
0x14: {  	s2 =	sld [smem:$0x3F99];
	s0 =	simm.s32 @p1 $0x1  }
0x15: {  	[smem:$0x3FB6] =	sst s0;
	s0 =	simm.s32 @!p2 $0x0  }
0x16: {  	s3 =	sld [smem:$0x3FDB];
	s0 =	simm.s32 @p2 $0x1  }
0x17: {  	s4 =	simm.s32 $0x1BF5;
	[smem:$0x3FB8] =	sst s0  }
0x18: {  	s0 =	sld [smem:$0x3F9B];
	_ =	swait.ge [sflag:s4], $0x0  }
0x19: {  	s7 =	sld [smem:$0x3F9C]  }
0x1a: {  	s8 =	sadd.s32 $0xFFFFE003, lr  }
0x1b: {  	s9 =	sadd.s32 $0xFFFFFEF7, lr;
	s5 =	simm.s32 $0xFFFFFFFF;
	p2 =	slt.u32 s8, $0xFFFFF086  }
0x1c: {  	p1 =	slt.u32 s9, $0xF7A;
	s5 =	simm.s32 @!p2 $0x0  }
0x1d: {  	s5 =	simm.s32 @p1 $0x1;
	p0 =	seq.s32 s7, s2  }
0x1e: {  	s7 =	smul.u32 @!p0 $0xF7A, s2;
	p2 =	seq.s32 @!p0 s5, $0x0  }
0x1f: {  	s9 =	smul.u32 $0xF7A, s1;
	s8 =	simm.s32 @!p0 $0x1BF5;
	p2 =	por !p2, p0  }
0x20: {  	[sflag:s8] =	ssyncset.s32 @!p0 $0xFFFFF086;
	s6 =	sadd.s32 @!p0 s3, s7;
	s7 =	simm.s32 @!p0 $0x108  }
0x21: {  	s3 =	sadd.s32 s3, s9;
	s6 =	sadd.s32 @!p0 $0x88, s6;
	s7 =	simm.s32 @p2 $0x1082  }
0x22: {  	[simem:s7], [sflag:s8] =	dma.local @!p0 [hbm:s6], $0xF7A  }
0x23: {  	s9 =	sor.u32 $0xD0000000, s2;
	s6 =	simm.s32 $0x108;
	_ =	swait.ge @!p0 [sflag:s8], $0x0  }
0x24: {  	s3 =	sadd.s32 $0x88, s3;
	s6 =	simm.s32 @!p1 $0x1082;
	[sflag:s4] =	ssyncset.s32 $0xFFFFF086  }
0x25: {  	[simem:s6], [sflag:s4] =	dma.local [hbm:s3], $0xF7A  }
0x26: {  	[smem:$0x3F9C] =	sst s1;
	(tag) =	ssettag s2;
	_ =	strace s9  }
0x27: {  	s1 =	sld [smem:$0x3FAC]  }
0x28: {  	s2 =	sld [smem:$0x3FAD]  }
0x29: {  	s4 =	sld [smem:$0x3FAF]  }
0x2a: {  	p0 =	seq.s32 s5, $0x0;
	s5 =	sld [smem:$0x3FB0]  }
0x2b: {  	s6 =	sld [smem:$0x3FB1]  }
0x2c: {  	s7 =	sld [smem:$0x3FB2]  }
0x2d: {  	s3 =	simm.s32 $0x108;
	s8 =	sld [smem:$0x3FB3]  }
0x2e: {  	s3 =	simm.s32 @!p0 $0x1082;
	s9 =	sld [smem:$0x3FB4]  }
0x2f: {  	lr =	sadd.s32 s0, s3;
	s0 =	sld [smem:$0x3FAB]  }
0x30: {  	s3 =	sld [smem:$0x3FAE]  }
0x31: {  	[smem:$0x3FB7] =	sst s10  }
0x32: {  	s10 =	sld [smem:$0x3FB5];
	_ =	sdelay $0x3  }
0x33: {  	p0 =	seq.s32 s10, $0x1;
	s10 =	sld [smem:$0x3FB7];
	_ =	sdelay $0x3  }
0x34: {  	[smem:$0x3FB7] =	sst s10  }
0x35: {  	s10 =	sld [smem:$0x3FB6];
	_ =	sdelay $0x3  }
0x36: {  	p1 =	seq.s32 s10, $0x1;
	s10 =	sld [smem:$0x3FB7];
	_ =	sdelay $0x3  }
0x37: {  	[smem:$0x3FB7] =	sst s10  }
0x38: {  	s10 =	sld [smem:$0x3FB8]  }
0x39: {  	_ = 	snop;
	(pc) =	sbr.ind lr, $3  }
0x3a: {  	_ = 	snop  }
0x3b: {  	_ = 	snop  }
0x3c: {  	p2 =	seq.s32 s10, $0x1;
	s10 =	sld [smem:$0x3FB7]  }
0x3d: {  	_ =	shalt  }
0x3e: {  	_ =	shalt  }
0x3f: {  	_ =	shalt  }
0x40: {  	_ =	shalt  }
0x41: {  	_ =	shalt  }
0x42: {  	_ =	shalt  }
0x43: {  	_ =	shalt  }
0x44: {  	_ =	shalt  }
0x45: {  	_ =	shalt  }
0x46: {  	_ =	shalt  }
0x47: {  	_ =	shalt  }
0x48: {  	_ =	shalt  }
0x49: {  	_ =	shalt  }
0x4a: {  	_ =	shalt  }
0x4b: {  	_ =	shalt  }
0x4c: {  	_ =	shalt  }
0x4d: {  	_ =	shalt  }
0x4e: {  	_ =	shalt  }
0x4f: {  	_ =	shalt  }
0x50: {  	_ =	shalt  }
0x51: {  	_ =	shalt  }
0x52: {  	_ =	shalt  }
0x53: {  	_ =	shalt  }
0x54: {  	_ =	shalt  }
0x55: {  	_ =	shalt  }
0x56: {  	_ =	shalt  }
0x57: {  	_ =	shalt  }
0x58: {  	_ =	shalt  }
0x59: {  	_ =	shalt  }
0x5a: {  	_ =	shalt  }
0x5b: {  	_ =	shalt  }
0x5c: {  	_ =	shalt  }
0x5d: {  	_ =	shalt  }
0x5e: {  	_ =	shalt  }
0x5f: {  	_ =	shalt  }
0x60: {  	_ =	shalt  }
0x61: {  	_ =	shalt  }
0x62: {  	_ =	shalt  }
0x63: {  	_ =	shalt  }
0x64: {  	_ =	shalt  }
0x65: {  	_ =	shalt  }
0x66: {  	_ =	shalt  }
0x67: {  	_ =	shalt  }
0x68: {  	_ =	shalt  }
0x69: {  	_ =	shalt  }
0x6a: {  	_ =	shalt  }
0x6b: {  	_ =	shalt  }
0x6c: {  	_ =	shalt  }
0x6d: {  	_ =	shalt  }
0x6e: {  	_ =	shalt  }
0x6f: {  	_ =	shalt  }
0x70: {  	_ =	shalt  }
0x71: {  	_ =	shalt  }
0x72: {  	_ =	shalt  }
0x73: {  	_ =	shalt  }
0x74: {  	_ =	shalt  }
0x75: {  	_ =	shalt  }
0x76: {  	_ =	shalt  }
0x77: {  	_ =	shalt  }
0x78: {  	_ =	shalt  }
0x79: {  	_ =	shalt  }
0x7a: {  	_ =	shalt  }
0x7b: {  	_ =	shalt  }
0x7c: {  	_ =	shalt  }
0x7d: {  	_ =	shalt  }
0x7e: {  	_ =	shalt  }
0x7f: {  	_ =	shalt  }
0x80: {  	_ =	shalt  }
0x81: {  	_ =	shalt  }
0x82: {  	_ =	shalt  }
0x83: {  	_ =	shalt  }
0x84: {  	_ =	shalt  }
0x85: {  	_ =	shalt  }
0x86: {  	_ =	shalt  }
0x87: {  	_ =	shalt  }
.Lfunc_end0:
.L_simem_size_0:
called_computation_lowered:
.L_overlay_start_0:
0x88: {  	s2 =	sld [smem:$0x3FD9]  }
0x89: {  	s3 =	sld [smem:$0x3FFE];
	_ =	sdelay $0x1  }
0x8a: {  	s1 =	srdreg.scid  }
0x8b: {  	s0 =	sand.u32 $0x1, s1  }
0x8c: {  	s17 =	sshll.u32 s0, $0xA;
	s2 =	sadd.s32 s3, s2  }
0x8d: {  	s2 =	sadd.s32 s2, s17  }
0x8e: {  	[smem:$0x3FC3] =	sst s2  }
0x8f: {  	_ = 	snop  }
0x90: {  	s2 =	sld [smem:$0x3FD0];
	(tm) =	ssettm $0x1  }
0x91: {  	s18 =	sld [smem:$0x3FFB];
	_ =	sdelay $0x3  }
0x92: {  	_ =	strace s18  }
0x93: {  	s3 =	sld [smem:$0x3FFC];
	_ =	sdelay $0x3  }
0x94: {  	_ =	strace s3  }
0x95: {  	s3 =	sld [smem:$0x3FFD];
	_ =	sdelay $0x3  }
0x96: {  	_ =	strace s3  }
0x97: {  	_ =	strace $0x8FFFFFFF  }
0x98: {  	s19 =	sld [smem:$0x3FDB];
	_ =	sdelay $0x1  }
0x99: {  	s4 =	simm.s32 $_scs_section_size  }
0x9a: {  	s5 =	simm.s32 $_size__tile_overlayer_lowered;
	s6 =	simm.s32 $_tile_overlayer_lowered  }
0x9b: {  	s22 =	simm.s32 $0x1BFF;
	s21 =	sshll.u32 s6, $0x1;
	s3 =	sadd.s32 s4, s19  }
0x9c: {  	s7 =	simm.s32 $0x0;
	s20 =	sshll.u32 s5, $0x1;
	s5 =	sadd.s32 s21, s3  }
0x9d: {  	[timem:s7], [sflag:s22] =	dma.local [hbm:s5], s20  }
0x9e: {  	_ =	swait.ge [sflag:s22], s20  }
0x9f: {  	s4 =	ssub.s32 $0x0, s20;
	[sflag:s22] =	ssyncset.done $0x0  }
0xa0: {  	[sflag:s22] =	ssyncadd.s32 s4;
	_ =	sdelay $0x1  }
0xa1: {  	s23 =	simm.s32 $0x1B8B  }
0xa2: {  	_ =	swait.ge [sflag:s23], $0x1  }
0xa3: {  	[sflag:s23] =	ssyncset.done $0x0  }
0xa4: {  	s25 =	simm.s32 $0x1B8E;
	s24 =	sld [smem:$0x3FFE];
	[sflag:s23] =	ssyncadd.s32 $0xFFFFFFFF  }
0xa5: {  	s26 =	simm.s32 $execute0_lowered;
	[smem:$0x3FD2] =	sst s25  }
0xa6: {  	s5 =	sshll.u32 s26, $0x1;
	_ =	strace $0x80000046;
	[dreg:$0x1] =	wrdreg $0xFFFFFFFF  }
0xa7: {  	s28 =	simm.s32 $_size_execute0_lowered;
	s3 =	sadd.s32 s3, s5;
	[dreg:$0x0] =	wrdreg $0x0  }
0xa8: {  	s5 =	sshll.u32 s28, $0x1;
	[dreg:$0x2] =	wrdreg s3  }
0xa9: {  	[dreg:$0x3] =	wrdreg s5  }
0xaa: {  	[dreg:$0x4] =	wrdreg $0xC0  }
0xab: {  	_ =	task [dreg:s7], $0x5FFFF  }
0xac: {  	[dreg:$0x1] =	wrdreg $0xFFFFFFFF  }
0xad: {  	[dreg:$0x0] =	wrdreg $0x60  }
0xae: {  	[dreg:$0x2] =	wrdreg s24  }
0xaf: {  	[dreg:$0x3] =	wrdreg s2  }
0xb0: {  	[dreg:$0x4] =	wrdreg $0x16000  }
0xb1: {  	[dreg:$0x5] =	wrdreg $0x9  }
0xb2: {  	_ =	task.clear_ibuf [dreg:s7], $0x6FFFF;
	_ =	strace $0x90000046  }
0xb3: {  	s29 =	simm.s32 $0x9;
	_ =	strace $0x80000048  }
0xb4: {  	_ =	swait.ge [sflag:s29], $0x1  }
0xb5: {  	[sflag:s29] =	ssyncadd.s32 $0xFFFFFFFF  }
0xb6: {  	_ =	strace $0x90000048  }
0xb7: {  	_ =	sfence  }
0xb8: {  	s30 =	sld [smem:$0x0];
	_ =	sdelay $0x2  }
0xb9: {  	s31 =	sshll.u32 s1, $0xD;
	s1 =	sshrl.u32 s1, $0x2  }
0xba: {  	s3 =	sand.u32 $0x4000, s31;
	s1 =	sadd.s32 s1, s30  }
0xbb: {  	s0 =	sor.u32 s3, s0;
	s1 =	sshll.u32 s1, $0x11  }
0xbc: {  	s0 =	sor.u32 s1, s0  }
0xbd: {  	s0 =	sadd.s32 $0x8F2B, s0  }
0xbe: {  	[sflag:s0] =	ssyncadd.remote.s32 $0x1  }
0xbf: {  	_ =	sfence.sel $0xFFFF  }
0xc0: {  	[dreg:$0x0] =	wrdreg $0xFFFFFFFF;
	(pc) =	sbr.abs _section_cstart, $3  }
0xc1: {  	[dreg:$0x1] =	wrdreg $0xFFFFFFFF  }
0xc2: {  	_ =	task.clear_ibuf [dreg:s7], $0x2FFFF;
	_ =	strace $0x9FFFFFFF  }
0xc3: {  	(tm) =	ssettm $0x7FFFFFFF  }
tec
execute0_lowered:
.L_overlay_start_1:
0x0: {  	(tag) =	ssettag $0x1  }
0x1: {  	s0 =	srdreg.scid  }
0x2: {  	s4 =	sand.u32 $0x1, s0;
	s0 =	stileid.u32  }
0x3: {  	s6 =	sor.u32 s0, s4  }
0x4: {  	p0 =	sne.s32 s6, $0x0  }
.Ltmp0:
0x5: {  	_ = 	snop;
	(pc) =	sbr.rel @p0 .LBB2_3-.Ltmp0, $4  }
0x6: {  	s5 =	rddreg [dreg:$0x0]  }
0x7: {  	s2 =	rddreg [dreg:$0x1]  }
0x8: {  	s3 =	rddreg [dreg:$0x2]  }
0x9: {  	s1 =	rddreg [dreg:$0x3];
	_ =	strace $0x80000047  }
0xa: {  	s6 =	ssub.s32 $0x2, s4  }
0xb: {  	s4 =	sadd.s32 $0x600, s5;
	s5 =	sadd.s32 $0x800, s5;
	s8 =	simm.s32 $0x1  }
0xc: {  	s9 =	simm.s32 $0x200;
	s10 =	simm.s32 $0x600;
	s12 =	sshll.u32 s0, $0x6  }
0xd: {  	v0 =	vimm.f32 $0.0e+00;
	v1 =	vlaneseq.u32;
	s11 =	simm.s32 $0x400;
	s13 =	sshrl.u32 s3, $0x3;
	s7 =	sshrl.u32 s6, $0x1  }
0xe: {  	v2 =	vor.u32 $0x10, v1;
	v3 =	vor.u32 $0x20, v1;
	v4 =	vor.u32 $0x30, v1;
	s12 =	sor.u32 $0x1C01, s12;
	s6 =	ssub.s32 s6, s7;
	s7 =	simm.s32 $0x0  }
.LBB2_2:
0xf: {  	[tilespmem:s7], [sflag:$0x1] =	stream.linear.gather [hbm4b:s4+s7], $0x200, $0x38;
	[tilespmem:$0x1700] =	vst v63  }
0x10: {  	_ =	swait.ge [sflag:s8], $0x200  }
0x11: {  	[sflag:s8] =	ssyncset.done $0x0  }
0x12: {  	[sflag:s8] =	ssyncadd.s32 $0xFFFFFE00  }
0x13: {  	[tilespmem:s9], [sflag:$0x1] =	stream.linear.gather [hbm4b:s5+s7], $0x200, $0x38;
	[tilespmem:$0x1700] =	vst v63  }
0x14: {  	_ =	swait.ge [sflag:s8], $0x200  }
0x15: {  	[sflag:s8] =	ssyncset.done $0x0  }
0x16: {  	[sflag:s8] =	ssyncadd.s32 $0xFFFFFE00  }
0x17: {  	[tilespmem:$0x600] =	vst v0  }
0x18: {  	[tilespmem:$0x610] =	vst v0  }
0x19: {  	[tilespmem:$0x620] =	vst v0  }
0x1a: {  	[tilespmem:$0x630] =	vst v0  }
0x1b: {  	[tilespmem:$0x640] =	vst v0  }
0x1c: {  	[tilespmem:$0x650] =	vst v0  }
0x1d: {  	[tilespmem:$0x660] =	vst v0  }
0x1e: {  	[tilespmem:$0x670] =	vst v0  }
0x1f: {  	[tilespmem:$0x680] =	vst v0  }
0x20: {  	[tilespmem:$0x690] =	vst v0  }
0x21: {  	[tilespmem:$0x6A0] =	vst v0  }
0x22: {  	[tilespmem:$0x6B0] =	vst v0  }
0x23: {  	[tilespmem:$0x6C0] =	vst v0  }
0x24: {  	[tilespmem:$0x6D0] =	vst v0  }
0x25: {  	[tilespmem:$0x6E0] =	vst v0  }
0x26: {  	[tilespmem:$0x6F0] =	vst v0  }
0x27: {  	[tilespmem:$0x700] =	vst v0  }
0x28: {  	[tilespmem:$0x710] =	vst v0  }
0x29: {  	[tilespmem:$0x720] =	vst v0  }
0x2a: {  	[tilespmem:$0x730] =	vst v0  }
0x2b: {  	[tilespmem:$0x740] =	vst v0  }
0x2c: {  	[tilespmem:$0x750] =	vst v0  }
0x2d: {  	[tilespmem:$0x760] =	vst v0  }
0x2e: {  	[tilespmem:$0x770] =	vst v0  }
0x2f: {  	[tilespmem:$0x780] =	vst v0  }
0x30: {  	[tilespmem:$0x790] =	vst v0  }
0x31: {  	[tilespmem:$0x7A0] =	vst v0  }
0x32: {  	[tilespmem:$0x7B0] =	vst v0  }
0x33: {  	[tilespmem:$0x7C0] =	vst v0  }
0x34: {  	[tilespmem:$0x7D0] =	vst v0  }
0x35: {  	[tilespmem:$0x7E0] =	vst v0  }
0x36: {  	[tilespmem:$0x7F0] =	vst v0  }
0x37: {  	[tilespmem:$0x800] =	vst v0  }
0x38: {  	[tilespmem:$0x810] =	vst v0  }
0x39: {  	[tilespmem:$0x820] =	vst v0  }
0x3a: {  	[tilespmem:$0x830] =	vst v0  }
0x3b: {  	[tilespmem:$0x840] =	vst v0  }
0x3c: {  	[tilespmem:$0x850] =	vst v0  }
0x3d: {  	[tilespmem:$0x860] =	vst v0  }
0x3e: {  	[tilespmem:$0x870] =	vst v0  }
0x3f: {  	[tilespmem:$0x880] =	vst v0  }
0x40: {  	[tilespmem:$0x890] =	vst v0  }
0x41: {  	[tilespmem:$0x8A0] =	vst v0  }
0x42: {  	[tilespmem:$0x8B0] =	vst v0  }
0x43: {  	[tilespmem:$0x8C0] =	vst v0  }
0x44: {  	[tilespmem:$0x8D0] =	vst v0  }
0x45: {  	[tilespmem:$0x8E0] =	vst v0  }
0x46: {  	[tilespmem:$0x8F0] =	vst v0  }
0x47: {  	[tilespmem:$0x900] =	vst v0  }
0x48: {  	[tilespmem:$0x910] =	vst v0  }
0x49: {  	[tilespmem:$0x920] =	vst v0  }
0x4a: {  	[tilespmem:$0x930] =	vst v0  }
0x4b: {  	[tilespmem:$0x940] =	vst v0  }
0x4c: {  	[tilespmem:$0x950] =	vst v0  }
0x4d: {  	[tilespmem:$0x960] =	vst v0  }
0x4e: {  	[tilespmem:$0x970] =	vst v0  }
0x4f: {  	[tilespmem:$0x980] =	vst v0  }
0x50: {  	[tilespmem:$0x990] =	vst v0  }
0x51: {  	[tilespmem:$0x9A0] =	vst v0  }
0x52: {  	[tilespmem:$0x9B0] =	vst v0  }
0x53: {  	[tilespmem:$0x9C0] =	vst v0  }
0x54: {  	[tilespmem:$0x9D0] =	vst v0  }
0x55: {  	[tilespmem:$0x9E0] =	vst v0  }
0x56: {  	[tilespmem:$0x9F0] =	vst v0;
	v5 =	vld [tilespmem:$0x0]  }
0x57: {  	[tilespmem:$0xA00] =	vst v0  }
0x58: {  	[tilespmem:$0xA10] =	vst v0  }
0x59: {  	[tilespmem:$0xA20] =	vst v0  }
0x5a: {  	[tilespmem:$0xA30] =	vst v0  }
0x5b: {  	[tilespmem:$0xA40] =	vst v0;
	v5 =	vshll.u32 v5, $0x6  }
0x5c: {  	[tilespmem:$0xA50] =	vst v0;
	v5 =	vor.u32 v1, v5  }
0x5d: {  	[tilespmem:$0x400] =	vst v5;
	v5 =	vld [tilespmem:$0x10]  }
0x5e: {  	[tilespmem:$0xA60] =	vst v0  }
0x5f: {  	[tilespmem:$0xA70] =	vst v0  }
0x60: {  	[tilespmem:$0xA80] =	vst v0  }
0x61: {  	[tilespmem:$0xA90] =	vst v0  }
0x62: {  	[tilespmem:$0xAA0] =	vst v0;
	v5 =	vshll.u32 v5, $0x6  }
0x63: {  	[tilespmem:$0xAB0] =	vst v0;
	v5 =	vor.u32 v2, v5  }
0x64: {  	[tilespmem:$0x410] =	vst v5;
	v5 =	vld [tilespmem:$0x20]  }
0x65: {  	[tilespmem:$0xAC0] =	vst v0  }
0x66: {  	[tilespmem:$0xAD0] =	vst v0  }
0x67: {  	[tilespmem:$0xAE0] =	vst v0  }
0x68: {  	[tilespmem:$0xAF0] =	vst v0  }
0x69: {  	[tilespmem:$0xB00] =	vst v0;
	v5 =	vshll.u32 v5, $0x6  }
0x6a: {  	[tilespmem:$0xB10] =	vst v0;
	v5 =	vor.u32 v3, v5  }
0x6b: {  	[tilespmem:$0x420] =	vst v5;
	v5 =	vld [tilespmem:$0x30]  }
0x6c: {  	[tilespmem:$0xB20] =	vst v0  }
0x6d: {  	[tilespmem:$0xB30] =	vst v0  }
0x6e: {  	[tilespmem:$0xB40] =	vst v0  }
0x6f: {  	[tilespmem:$0xB50] =	vst v0  }
0x70: {  	[tilespmem:$0xB60] =	vst v0;
	v5 =	vshll.u32 v5, $0x6  }
0x71: {  	[tilespmem:$0xB70] =	vst v0;
	v5 =	vor.u32 v4, v5  }
0x72: {  	[tilespmem:$0x430] =	vst v5;
	v5 =	vld [tilespmem:$0x40]  }
0x73: {  	[tilespmem:$0xB80] =	vst v0  }
0x74: {  	[tilespmem:$0xB90] =	vst v0  }
0x75: {  	[tilespmem:$0xBA0] =	vst v0  }
0x76: {  	[tilespmem:$0xBB0] =	vst v0  }
0x77: {  	[tilespmem:$0xBC0] =	vst v0;
	v5 =	vshll.u32 v5, $0x6  }
0x78: {  	[tilespmem:$0xBD0] =	vst v0;
	v5 =	vor.u32 v1, v5  }
0x79: {  	[tilespmem:$0x440] =	vst v5;
	v5 =	vld [tilespmem:$0x50]  }
0x7a: {  	[tilespmem:$0xBE0] =	vst v0  }
0x7b: {  	[tilespmem:$0xBF0] =	vst v0  }
0x7c: {  	[tilespmem:$0xC00] =	vst v0  }
0x7d: {  	[tilespmem:$0xC10] =	vst v0  }
0x7e: {  	[tilespmem:$0xC20] =	vst v0;
	v5 =	vshll.u32 v5, $0x6  }
0x7f: {  	[tilespmem:$0xC30] =	vst v0;
	v5 =	vor.u32 v2, v5  }
0x80: {  	[tilespmem:$0x450] =	vst v5;
	v5 =	vld [tilespmem:$0x60]  }
0x81: {  	[tilespmem:$0xC40] =	vst v0  }
0x82: {  	[tilespmem:$0xC50] =	vst v0  }
0x83: {  	[tilespmem:$0xC60] =	vst v0  }
0x84: {  	[tilespmem:$0xC70] =	vst v0  }
0x85: {  	[tilespmem:$0xC80] =	vst v0;
	v5 =	vshll.u32 v5, $0x6  }
0x86: {  	[tilespmem:$0xC90] =	vst v0;
	v5 =	vor.u32 v3, v5  }
0x87: {  	[tilespmem:$0x460] =	vst v5;
	v5 =	vld [tilespmem:$0x70]  }
0x88: {  	[tilespmem:$0xCA0] =	vst v0  }
0x89: {  	[tilespmem:$0xCB0] =	vst v0  }
0x8a: {  	[tilespmem:$0xCC0] =	vst v0  }
0x8b: {  	[tilespmem:$0xCD0] =	vst v0  }
0x8c: {  	[tilespmem:$0xCE0] =	vst v0;
	v5 =	vshll.u32 v5, $0x6  }
0x8d: {  	[tilespmem:$0xCF0] =	vst v0;
	v5 =	vor.u32 v4, v5  }
0x8e: {  	[tilespmem:$0x470] =	vst v5;
	v5 =	vld [tilespmem:$0x80]  }
0x8f: {  	[tilespmem:$0xD00] =	vst v0  }
0x90: {  	[tilespmem:$0xD10] =	vst v0  }
0x91: {  	[tilespmem:$0xD20] =	vst v0  }
0x92: {  	[tilespmem:$0xD30] =	vst v0  }
0x93: {  	[tilespmem:$0xD40] =	vst v0;
	v5 =	vshll.u32 v5, $0x6  }
0x94: {  	[tilespmem:$0xD50] =	vst v0;
	v5 =	vor.u32 v1, v5  }
0x95: {  	[tilespmem:$0x480] =	vst v5;
	v5 =	vld [tilespmem:$0x90]  }
0x96: {  	[tilespmem:$0xD60] =	vst v0  }
0x97: {  	[tilespmem:$0xD70] =	vst v0  }
0x98: {  	[tilespmem:$0xD80] =	vst v0  }
0x99: {  	[tilespmem:$0xD90] =	vst v0  }
0x9a: {  	[tilespmem:$0xDA0] =	vst v0;
	v5 =	vshll.u32 v5, $0x6  }
0x9b: {  	[tilespmem:$0xDB0] =	vst v0;
	v5 =	vor.u32 v2, v5  }
0x9c: {  	[tilespmem:$0x490] =	vst v5;
	v5 =	vld [tilespmem:$0xA0]  }
0x9d: {  	[tilespmem:$0xDC0] =	vst v0  }
0x9e: {  	[tilespmem:$0xDD0] =	vst v0  }
0x9f: {  	[tilespmem:$0xDE0] =	vst v0  }
0xa0: {  	[tilespmem:$0xDF0] =	vst v0  }
0xa1: {  	[tilespmem:$0xE00] =	vst v0;
	v5 =	vshll.u32 v5, $0x6  }
0xa2: {  	[tilespmem:$0xE10] =	vst v0;
	v5 =	vor.u32 v3, v5  }
0xa3: {  	[tilespmem:$0x4A0] =	vst v5;
	v5 =	vld [tilespmem:$0xB0]  }
0xa4: {  	[tilespmem:$0xE20] =	vst v0  }
0xa5: {  	[tilespmem:$0xE30] =	vst v0  }
0xa6: {  	[tilespmem:$0xE40] =	vst v0  }
0xa7: {  	[tilespmem:$0xE50] =	vst v0  }
0xa8: {  	[tilespmem:$0xE60] =	vst v0;
	v5 =	vshll.u32 v5, $0x6  }
0xa9: {  	[tilespmem:$0xE70] =	vst v0;
	v5 =	vor.u32 v4, v5  }
0xaa: {  	[tilespmem:$0x4B0] =	vst v5;
	v5 =	vld [tilespmem:$0xD0]  }
0xab: {  	[tilespmem:$0xE80] =	vst v0  }
0xac: {  	[tilespmem:$0xE90] =	vst v0  }
0xad: {  	[tilespmem:$0xEA0] =	vst v0  }
0xae: {  	[tilespmem:$0xEB0] =	vst v0  }
0xaf: {  	[tilespmem:$0xEC0] =	vst v0;
	v5 =	vshll.u32 v5, $0x6  }
0xb0: {  	[tilespmem:$0xED0] =	vst v0;
	v5 =	vor.u32 v2, v5  }
0xb1: {  	[tilespmem:$0x4D0] =	vst v5;
	v5 =	vld [tilespmem:$0xE0]  }
0xb2: {  	[tilespmem:$0xEE0] =	vst v0  }
0xb3: {  	[tilespmem:$0xEF0] =	vst v0  }
0xb4: {  	[tilespmem:$0xF00] =	vst v0  }
0xb5: {  	[tilespmem:$0xF10] =	vst v0  }
0xb6: {  	[tilespmem:$0xF20] =	vst v0;
	v5 =	vshll.u32 v5, $0x6  }
0xb7: {  	[tilespmem:$0xF30] =	vst v0;
	v5 =	vor.u32 v3, v5  }
0xb8: {  	[tilespmem:$0x4E0] =	vst v5;
	v5 =	vld [tilespmem:$0xF0]  }
0xb9: {  	[tilespmem:$0xF40] =	vst v0  }
0xba: {  	[tilespmem:$0xF50] =	vst v0  }
0xbb: {  	[tilespmem:$0xF60] =	vst v0  }
0xbc: {  	[tilespmem:$0xF70] =	vst v0  }
0xbd: {  	[tilespmem:$0xF80] =	vst v0;
	v5 =	vshll.u32 v5, $0x6  }
0xbe: {  	[tilespmem:$0xF90] =	vst v0;
	v5 =	vor.u32 v4, v5  }
0xbf: {  	[tilespmem:$0x4F0] =	vst v5;
	v5 =	vld [tilespmem:$0x100]  }
0xc0: {  	[tilespmem:$0xFA0] =	vst v0  }
0xc1: {  	[tilespmem:$0xFB0] =	vst v0  }
0xc2: {  	[tilespmem:$0xFC0] =	vst v0  }
0xc3: {  	[tilespmem:$0xFD0] =	vst v0  }
0xc4: {  	[tilespmem:$0xFE0] =	vst v0;
	v5 =	vshll.u32 v5, $0x6  }
0xc5: {  	[tilespmem:$0xFF0] =	vst v0;
	v5 =	vor.u32 v1, v5  }
0xc6: {  	[tilespmem:$0x500] =	vst v5;
	v5 =	vld [tilespmem:$0x110]  }
0xc7: {  	[tilespmem:$0x1000] =	vst v0  }
0xc8: {  	[tilespmem:$0x1010] =	vst v0  }
0xc9: {  	[tilespmem:$0x1020] =	vst v0  }
0xca: {  	[tilespmem:$0x1030] =	vst v0  }
0xcb: {  	[tilespmem:$0x1040] =	vst v0;
	v5 =	vshll.u32 v5, $0x6  }
0xcc: {  	[tilespmem:$0x1050] =	vst v0;
	v5 =	vor.u32 v2, v5  }
0xcd: {  	[tilespmem:$0x510] =	vst v5;
	v5 =	vld [tilespmem:$0x120]  }
0xce: {  	[tilespmem:$0x1060] =	vst v0  }
0xcf: {  	[tilespmem:$0x1070] =	vst v0  }
0xd0: {  	[tilespmem:$0x1080] =	vst v0  }
0xd1: {  	[tilespmem:$0x1090] =	vst v0  }
0xd2: {  	[tilespmem:$0x10A0] =	vst v0;
	v5 =	vshll.u32 v5, $0x6  }
0xd3: {  	[tilespmem:$0x10B0] =	vst v0;
	v5 =	vor.u32 v3, v5  }
0xd4: {  	[tilespmem:$0x520] =	vst v5;
	v5 =	vld [tilespmem:$0x140]  }
0xd5: {  	[tilespmem:$0x10C0] =	vst v0  }
0xd6: {  	[tilespmem:$0x10D0] =	vst v0  }
0xd7: {  	[tilespmem:$0x10E0] =	vst v0  }
0xd8: {  	[tilespmem:$0x10F0] =	vst v0  }
0xd9: {  	[tilespmem:$0x1100] =	vst v0;
	v5 =	vshll.u32 v5, $0x6  }
0xda: {  	[tilespmem:$0x1110] =	vst v0;
	v5 =	vor.u32 v1, v5  }
0xdb: {  	[tilespmem:$0x540] =	vst v5;
	v5 =	vld [tilespmem:$0x150]  }
0xdc: {  	[tilespmem:$0x1120] =	vst v0  }
0xdd: {  	[tilespmem:$0x1130] =	vst v0  }
0xde: {  	[tilespmem:$0x1140] =	vst v0  }
0xdf: {  	[tilespmem:$0x1150] =	vst v0  }
0xe0: {  	[tilespmem:$0x1160] =	vst v0;
	v5 =	vshll.u32 v5, $0x6  }
0xe1: {  	[tilespmem:$0x1170] =	vst v0;
	v5 =	vor.u32 v2, v5  }
0xe2: {  	[tilespmem:$0x550] =	vst v5;
	v5 =	vld [tilespmem:$0x160]  }
0xe3: {  	[tilespmem:$0x1180] =	vst v0  }
0xe4: {  	[tilespmem:$0x1190] =	vst v0  }
0xe5: {  	[tilespmem:$0x11A0] =	vst v0  }
0xe6: {  	[tilespmem:$0x11B0] =	vst v0  }
0xe7: {  	[tilespmem:$0x11C0] =	vst v0;
	v5 =	vshll.u32 v5, $0x6  }
0xe8: {  	[tilespmem:$0x11D0] =	vst v0;
	v5 =	vor.u32 v3, v5  }
0xe9: {  	[tilespmem:$0x560] =	vst v5;
	v5 =	vld [tilespmem:$0x170]  }
0xea: {  	[tilespmem:$0x11E0] =	vst v0  }
0xeb: {  	[tilespmem:$0x11F0] =	vst v0  }
0xec: {  	[tilespmem:$0x1200] =	vst v0  }
0xed: {  	[tilespmem:$0x1210] =	vst v0  }
0xee: {  	[tilespmem:$0x1220] =	vst v0;
	v5 =	vshll.u32 v5, $0x6  }
0xef: {  	[tilespmem:$0x1230] =	vst v0;
	v5 =	vor.u32 v4, v5  }
0xf0: {  	[tilespmem:$0x570] =	vst v5;
	v5 =	vld [tilespmem:$0x180]  }
0xf1: {  	[tilespmem:$0x1240] =	vst v0  }
0xf2: {  	[tilespmem:$0x1250] =	vst v0  }
0xf3: {  	[tilespmem:$0x1260] =	vst v0  }
0xf4: {  	[tilespmem:$0x1270] =	vst v0  }
0xf5: {  	[tilespmem:$0x1280] =	vst v0;
	v5 =	vshll.u32 v5, $0x6  }
0xf6: {  	[tilespmem:$0x1290] =	vst v0;
	v5 =	vor.u32 v1, v5  }
0xf7: {  	[tilespmem:$0x580] =	vst v5;
	v5 =	vld [tilespmem:$0x190]  }
0xf8: {  	[tilespmem:$0x12A0] =	vst v0  }
0xf9: {  	[tilespmem:$0x12B0] =	vst v0  }
0xfa: {  	[tilespmem:$0x12C0] =	vst v0  }
0xfb: {  	[tilespmem:$0x12D0] =	vst v0  }
0xfc: {  	[tilespmem:$0x12E0] =	vst v0;
	v5 =	vshll.u32 v5, $0x6  }
0xfd: {  	[tilespmem:$0x12F0] =	vst v0;
	v5 =	vor.u32 v2, v5  }
0xfe: {  	[tilespmem:$0x590] =	vst v5;
	v5 =	vld [tilespmem:$0x1B0]  }
0xff: {  	[tilespmem:$0x1300] =	vst v0  }
0x100: {  	[tilespmem:$0x1310] =	vst v0  }
0x101: {  	[tilespmem:$0x1320] =	vst v0  }
0x102: {  	[tilespmem:$0x1330] =	vst v0  }
0x103: {  	[tilespmem:$0x1340] =	vst v0;
	v5 =	vshll.u32 v5, $0x6  }
0x104: {  	[tilespmem:$0x1350] =	vst v0;
	v5 =	vor.u32 v4, v5  }
0x105: {  	[tilespmem:$0x5B0] =	vst v5;
	v5 =	vld [tilespmem:$0x1C0]  }
0x106: {  	[tilespmem:$0x1360] =	vst v0  }
0x107: {  	[tilespmem:$0x1370] =	vst v0  }
0x108: {  	[tilespmem:$0x1380] =	vst v0  }
0x109: {  	[tilespmem:$0x1390] =	vst v0  }
0x10a: {  	[tilespmem:$0x13A0] =	vst v0;
	v5 =	vshll.u32 v5, $0x6  }
0x10b: {  	[tilespmem:$0x13B0] =	vst v0;
	v5 =	vor.u32 v1, v5  }
0x10c: {  	[tilespmem:$0x5C0] =	vst v5;
	v5 =	vld [tilespmem:$0x1D0]  }
0x10d: {  	[tilespmem:$0x13C0] =	vst v0  }
0x10e: {  	[tilespmem:$0x13D0] =	vst v0  }
0x10f: {  	[tilespmem:$0x13E0] =	vst v0  }
0x110: {  	[tilespmem:$0x13F0] =	vst v0  }
0x111: {  	[tilespmem:$0x1400] =	vst v0;
	v5 =	vshll.u32 v5, $0x6  }
0x112: {  	[tilespmem:$0x1410] =	vst v0;
	v5 =	vor.u32 v2, v5  }
0x113: {  	[tilespmem:$0x5D0] =	vst v5;
	v5 =	vld [tilespmem:$0x1A0]  }
0x114: {  	[tilespmem:$0x1420] =	vst v0  }
0x115: {  	[tilespmem:$0x1430] =	vst v0  }
0x116: {  	[tilespmem:$0x1440] =	vst v0  }
0x117: {  	[tilespmem:$0x1450] =	vst v0  }
0x118: {  	[tilespmem:$0x1460] =	vst v0;
	v5 =	vshll.u32 v5, $0x6  }
0x119: {  	[tilespmem:$0x1470] =	vst v0;
	v5 =	vor.u32 v3, v5  }
0x11a: {  	[tilespmem:$0x5A0] =	vst v5;
	v5 =	vld [tilespmem:$0x130]  }
0x11b: {  	[tilespmem:$0x1480] =	vst v0  }
0x11c: {  	[tilespmem:$0x1490] =	vst v0  }
0x11d: {  	[tilespmem:$0x14A0] =	vst v0  }
0x11e: {  	[tilespmem:$0x14B0] =	vst v0  }
0x11f: {  	[tilespmem:$0x14C0] =	vst v0;
	v5 =	vshll.u32 v5, $0x6  }
0x120: {  	[tilespmem:$0x14D0] =	vst v0;
	v5 =	vor.u32 v4, v5  }
0x121: {  	[tilespmem:$0x530] =	vst v5;
	v5 =	vld [tilespmem:$0xC0]  }
0x122: {  	[tilespmem:$0x14E0] =	vst v0  }
0x123: {  	[tilespmem:$0x14F0] =	vst v0  }
0x124: {  	[tilespmem:$0x1500] =	vst v0  }
0x125: {  	[tilespmem:$0x1510] =	vst v0  }
0x126: {  	[tilespmem:$0x1520] =	vst v0;
	v5 =	vshll.u32 v5, $0x6  }
0x127: {  	[tilespmem:$0x1530] =	vst v0;
	v5 =	vor.u32 v1, v5  }
0x128: {  	[tilespmem:$0x4C0] =	vst v5;
	v5 =	vld [tilespmem:$0x1E0]  }
0x129: {  	[tilespmem:$0x1540] =	vst v0  }
0x12a: {  	[tilespmem:$0x1550] =	vst v0  }
0x12b: {  	[tilespmem:$0x1560] =	vst v0  }
0x12c: {  	[tilespmem:$0x1570] =	vst v0  }
0x12d: {  	[tilespmem:$0x1580] =	vst v0;
	v5 =	vshll.u32 v5, $0x6  }
0x12e: {  	[tilespmem:$0x1590] =	vst v0;
	v5 =	vor.u32 v3, v5  }
0x12f: {  	[tilespmem:$0x5E0] =	vst v5;
	v5 =	vld [tilespmem:$0x1F0]  }
0x130: {  	[tilespmem:$0x15A0] =	vst v0  }
0x131: {  	[tilespmem:$0x15B0] =	vst v0  }
0x132: {  	[tilespmem:$0x15C0] =	vst v0  }
0x133: {  	[tilespmem:$0x15D0] =	vst v0  }
0x134: {  	[tilespmem:$0x15E0] =	vst v0;
	v5 =	vshll.u32 v5, $0x6  }
0x135: {  	v5 =	vor.u32 v4, v5;
	[tilespmem:$0x15F0] =	vst v0  }
0x136: {  	[tilespmem:$0x5F0] =	vst v5  }
0x137: {  	[spmem:s3] =	stream.linear.scatter [tilespmem:s10], [sflag:$0x1], $0x1000, $0x38;
	[tilespmem:$0x1700] =	vst v63  }
0x138: {  	_ =	swait.ge [sflag:s8], $0x1000  }
0x139: {  	[sflag:s8] =	ssyncset.done $0x0  }
0x13a: {  	[sflag:s8] =	ssyncadd.s32 $0xFFFFF000  }
0x13b: {  	[spmem:s3] =	stream.indirect.scatter.add.f32 [tilespmem:s9], [sflag:$0x1], $0x1, s11, s9, $0xb8;
	[tilespmem:$0x1700] =	vst v63  }
0x13c: {  	_ =	swait.ge [sflag:s8], $0x200  }
0x13d: {  	p0 =	sne.s32 s6, $0x1;
	[sflag:s8] =	ssyncset.done $0x0  }
.Ltmp1:
0x13e: {  	[sflag:s8] =	ssyncadd.s32 $0xFFFFFE00;
	(pc) =	sbr.rel @p0 .LBB2_2-.Ltmp1, $4  }
0x13f: {  	[hbm:s2], [sflag:s12] =	dma.local [spmem:s13], $0x200  }
0x140: {  	_ =	swait.ge [sflag:s8], $0x200  }
0x141: {  	[sflag:s8] =	ssyncset.done $0x0  }
0x142: {  	s6 =	sadd.s32 $0xFFFFFFFF, s6;
	[sflag:s8] =	ssyncadd.s32 $0xFFFFFE00  }
.LBB2_3:
0x143: {  	_ =	sfence.sel $0x180000  }
0x144: {  	[bflag:$0x0] =	sbarrier.arrive $0xFFFF  }
0x145: {  	p0 =	sne.s32 s0, $0x0;
	_ =	strace $0x90000047  }
0x146: {  	s0 =	sadd.s32 @!p0 $0x100000, s1;
	[bflag:$0x2] =	sbarrier.arrive $0xFFFF  }
0x147: {  	[sflag:s0] =	ssyncadd.tile.s32 @!p0 $0x1;
	_ =	shalt  }
.Lfunc_end2:
_tile_overlayer_lowered:
.L_overlay_start_2:
0x148: {  	(tag) =	ssettag $0x2  }
0x149: {  	s0 =	rddreg [dreg:$0x0];
	s2 =	stileid.u32  }
0x14a: {  	s1 =	rddreg [dreg:$0x1];
	p0 =	sne.s32 s2, $0x0  }
0x14b: {  	s3 =	rddreg [dreg:$0x2];
	[bflag:$0x3] =	sbarrier.arrive $0xFFFF;
	s2 =	simm.s32 @!p0 $0x1C01  }
0x14c: {  	[timem:s3], [sflag:s2] =	dma.local @!p0 [hbm:s0], s1  }
0x14d: {  	s0 =	simm.s32 @!p0 $0x1  }
0x14e: {  	_ =	swait.ge @!p0 [sflag:s0], s1  }
0x14f: {  	s1 =	ssub.s32 @!p0 $0x0, s1;
	[sflag:s0] =	ssyncset.done @!p0 $0x0  }
0x150: {  	[sflag:s0] =	ssyncadd.s32 @!p0 s1  }
0x151: {  	[bflag:$0x3] =	sbarrier.arrive $0xFFFF  }
0x152: {  	_ =	shalt  }

</sc_bundles>
